<compile_context>
chip_gen: v7x
topology: tpu7x:2x2x1
jax: 0.10.2.dev20260603
libtpu: 0.0.44.dev20260713+nightly
codegen_flags: <defaults>
</compile_context>

<pallas_src>
import jax
import jax.numpy as jnp
import numpy as np
from jax import lax
from jax.experimental import pallas as pl
from jax.experimental.pallas import tpu as pltpu
from jax.experimental.pallas import tpu_sc as plsc

EPS = 1e-8
N_P = 200000
N_L = 50000
M = 400000
B = 256
G1 = 4096
T = 8
CLAMP_RATE = 0.8
CLAMP_MAX = 20.0 / 10.0
COOR_SCALE2 = 100.0

K = 2000
NB = N_P // K
BPAD = 288

NW = 32
EDGES_W = 12800
M_PAD = NW * EDGES_W
C = 256
NCH = EDGES_W // C
KL = 2000
NBL = M // KL
G1PAD = G1 + 32

_ACOS_C = (1.5707288, -0.2121144, 0.0742610, -0.0187293)


def _acos_poly(x):
    ax = jnp.abs(x)
    p = _ACOS_C[3]
    for c in (_ACOS_C[2], _ACOS_C[1], _ACOS_C[0]):
        p = p * ax + c
    r = jnp.sqrt(jnp.maximum(1.0 - ax, 0.0)) * p
    return jnp.where(x >= 0, r, np.pi - r)



def _lig_body(pred_hbm, true_hbm, lm_hbm, lnm_hbm, out_hbm,
              idxm_v, idxn_v, idxgm_v, idxgn_v, pred_v, true_v, outb_v,
              sem1, sem2):
    wid = lax.axis_index("s") * 2 + lax.axis_index("c")
    base = wid * EDGES_W

    def _chunk(kk, _):
        g0 = base + kk * C
        pltpu.sync_copy(lm_hbm.at[pl.ds(g0, C)], idxm_v)
        pltpu.sync_copy(lnm_hbm.at[pl.ds(g0, C)], idxn_v)

        def _shift(i, _):
            mv = idxm_v[pl.ds(i * 16, 16)]
            nv = idxn_v[pl.ds(i * 16, 16)]
            idxgm_v[pl.ds(i * 16, 16)] = lax.shift_right_logical(mv, 2)
            idxgn_v[pl.ds(i * 16, 16)] = lax.shift_right_logical(nv, 2)
            return 0

        lax.fori_loop(0, C // 16, _shift, 0)
        cp1 = pltpu.async_copy(pred_hbm.at[idxgm_v], pred_v, sem1)
        cp2 = pltpu.async_copy(true_hbm.at[idxgn_v], true_v, sem2)
        cp1.wait()
        cp2.wait()

        def _edge16(jj, _):
            j16 = jj * 16
            mv = idxm_v[pl.ds(j16, 16)]
            nv = idxn_v[pl.ds(j16, 16)]
            for k in range(16):
                j = j16 + k
                subm = (mv[k] & 3) * 32
                subn = (nv[k] & 3) * 32
                p0 = pred_v[j, pl.ds(subm, 16)]
                p1 = pred_v[j, pl.ds(subm + 16, 16)]
                t0 = true_v[j, pl.ds(subn, 16)]
                t1 = true_v[j, pl.ds(subn + 16, 16)]
                d0 = p0 - t0
                d1 = p1 - t1
                outb_v[pl.ds(j * 32, 16)] = d0 * d0
                outb_v[pl.ds(j * 32 + 16, 16)] = d1 * d1
            return 0

        lax.fori_loop(0, C // 16, _edge16, 0)
        pltpu.sync_copy(outb_v, out_hbm.at[pl.ds(g0 * 32, C * 32)])
        return 0

    lax.fori_loop(0, NCH, _chunk, 0)


def _lig_call(pred4, true4, lmp, lnmp):
    mesh = plsc.VectorSubcoreMesh(core_axis_name="c", subcore_axis_name="s")
    kfn = pl.kernel(
        _lig_body,
        mesh=mesh,
        out_type=jax.ShapeDtypeStruct((M_PAD * 32,), jnp.float32),
        scratch_types=[
            pltpu.VMEM((C,), jnp.int32),
            pltpu.VMEM((C,), jnp.int32),
            pltpu.VMEM((C,), jnp.int32),
            pltpu.VMEM((C,), jnp.int32),
            pltpu.VMEM((C, 128), jnp.float32),
            pltpu.VMEM((C, 128), jnp.float32),
            pltpu.VMEM((C * 32,), jnp.float32),
            pltpu.SemaphoreType.DMA,
            pltpu.SemaphoreType.DMA,
        ],
    )
    return kfn(pred4, true4, lmp, lnmp)



def _dotT(a, b):
    return lax.dot_general(a, b, (((1,), (1,)), ((), ())),
                           preferred_element_type=jnp.float32)



def _coor_kernel(d2_ref, ids_ref, out_ref):
    i = pl.program_id(0)

    @pl.when(i == 0)
    def _():
        out_ref[...] = jnp.zeros((G1PAD, 16), jnp.float32)

    f32 = jnp.float32
    i32 = jnp.int32
    r8 = lax.broadcasted_iota(i32, (8, 32), 0)
    c32 = lax.broadcasted_iota(i32, (8, 32), 1)
    red = jnp.logical_and(c32 >= 3 * r8, c32 < 3 * r8 + 3).astype(f32)

    d2 = d2_ref[...]
    ss = _dotT(red, d2)
    d = jnp.sqrt(ss)
    dmix = (jnp.minimum(d, CLAMP_MAX) * CLAMP_RATE + d * (1.0 - CLAMP_RATE))
    cl2 = ss[7:8] * COOR_SCALE2
    vals = jnp.concatenate(
        [dmix, cl2, jnp.ones((1, KL), f32), jnp.zeros((6, KL), f32)], axis=0)

    ids = ids_ref[0]
    lo = ids_ref[0, 0, 0]
    hi = ids_ref[0, 0, KL - 1]
    nwin = (hi - lo) // 32 + 1

    def _win(w, _):
        w0 = lo + w * 32
        oh = ((lax.broadcasted_iota(i32, (32, KL), 0) + w0) == ids).astype(f32)
        part = _dotT(oh, vals)
        out_ref[pl.ds(w0, 32), :] = out_ref[pl.ds(w0, 32), :] + part
        return 0

    lax.fori_loop(0, nwin, _win, 0)


def _coor_call(d2, ids3):
    return pl.pallas_call(
        _coor_kernel,
        grid=(NBL,),
        in_specs=[
            pl.BlockSpec((KL, 32), lambda i: (i, 0)),
            pl.BlockSpec((1, 1, KL), lambda i: (i, 0, 0)),
        ],
        out_specs=pl.BlockSpec((G1PAD, 16), lambda i: (0, 0)),
        out_shape=jax.ShapeDtypeStruct((G1PAD, 16), jnp.float32),
    )(d2, ids3)



def _pocket_kernel(ca_ref, pct_ref, cam_ref, cb_ref, cbt_ref, cbm_ref,
                   scp_ref, tv_ref, tva_ref, tm_ref, ids_ref, out_ref):
    i = pl.program_id(0)

    @pl.when(i == 0)
    def _():
        out_ref[...] = jnp.zeros((BPAD, 16), jnp.float32)

    f32 = jnp.float32
    i32 = jnp.int32

    r8 = lax.broadcasted_iota(i32, (8, 24), 0)
    c24 = lax.broadcasted_iota(i32, (8, 24), 1)
    sel_x = (c24 == 3 * r8).astype(f32)
    sel_y = (c24 == 3 * r8 + 1).astype(f32)
    sel_z = (c24 == 3 * r8 + 2).astype(f32)
    r4 = lax.broadcasted_iota(i32, (4, 8), 0)
    c8 = lax.broadcasted_iota(i32, (4, 8), 1)
    sel_a = (c8 == 2 * r4).astype(f32)
    sel_b = (c8 == 2 * r4 + 1).astype(f32)
    c3 = lax.broadcasted_iota(i32, (1, 3), 1)
    e1_3 = (c3 >= 0).astype(f32)
    id4 = (lax.broadcasted_iota(i32, (4, 4), 0)
           == lax.broadcasted_iota(i32, (4, 4), 1)).astype(f32)
    px_sel = (c3 == 0).astype(f32)
    py_sel = (c3 == 1).astype(f32)
    pz_sel = (c3 == 2).astype(f32)

    ca = ca_ref[...]
    pct = pct_ref[...]
    cax = _dotT(sel_x, ca)
    cay = _dotT(sel_y, ca)
    caz = _dotT(sel_z, ca)
    px = _dotT(px_sel, pct)
    py = _dotT(py_sel, pct)
    pz = _dotT(pz_sel, pct)
    camT = _dotT(jnp.ones((1, 1), f32), cam_ref[...])
    dx = cax - px
    dy = cay - py
    dz = caz - pz
    ca_cols = (dx * dx + dy * dy + dz * dz) * camT

    cbd = cb_ref[...] - cbt_ref[...]
    cbmT = _dotT(jnp.ones((1, 1), f32), cbm_ref[...])
    cb_col = _dotT(e1_3, cbd * cbd) * cbmT

    scp = scp_ref[...]
    a0 = _dotT(sel_a, scp)
    a1 = _dotT(sel_b, scp)
    b0 = _dotT(sel_a, tv_ref[...])
    b1 = _dotT(sel_b, tv_ref[...])
    g0 = _dotT(sel_a, tva_ref[...])
    g1 = _dotT(sel_b, tva_ref[...])
    tmT = _dotT(id4, tm_ref[...])

    d0 = a0 - b0
    d1 = a1 - b1
    l2 = d0 * d0 + d1 * d1
    h0 = a0 - g0
    h1 = a1 - g1
    l2a = h0 * h0 + h1 * h1
    l2m = jnp.minimum(l2, l2a)
    n_a = a0 * a0 + a1 * a1
    pel = jnp.abs(jnp.sqrt(n_a) - 1.0)
    scv = (l2m + 0.01 * pel) * tmT
    tmsum = jnp.sum(tmT, axis=0, keepdims=True)
    sc_col = jnp.sum(scv, axis=0, keepdims=True) / (tmsum + EPS)

    bc0 = jnp.concatenate([b0, g0], axis=0)
    bc1 = jnp.concatenate([b1, g1], axis=0)
    a0t = jnp.concatenate([a0, a0], axis=0)
    a1t = jnp.concatenate([a1, a1], axis=0)
    nat = jnp.concatenate([n_a, n_a], axis=0)
    dots = a0t * bc0 + a1t * bc1
    nb = bc0 * bc0 + bc1 * bc1
    cos = dots / (jnp.sqrt(nat * nb) + EPS)
    cos = jnp.clip(cos, -1.0 + 1e-6, 1.0 - 1e-6)
    err = _acos_poly(cos)
    errm = jnp.minimum(err[0:4], err[4:8])
    tdd_col = (jnp.sum(errm * tmT, axis=0, keepdims=True)
               * (180.0 / np.pi) / (tmsum + EPS))

    vals = jnp.concatenate(
        [ca_cols, cb_col, sc_col, tdd_col, jnp.ones((1, K), f32),
         jnp.zeros((4, K), f32)], axis=0)

    ids = ids_ref[0]
    lo = ids_ref[0, 0, 0]
    hi = ids_ref[0, 0, K - 1]
    nwin = (hi - lo) // 32 + 1

    def _win(w, _):
        w0 = lo + w * 32
        oh = ((lax.broadcasted_iota(i32, (32, K), 0) + w0) == ids).astype(f32)
        part = _dotT(oh, vals)
        out_ref[pl.ds(w0, 32), :] = out_ref[pl.ds(w0, 32), :] + part
        return 0

    lax.fori_loop(0, nwin, _win, 0)


def _pocket_call(ca2, pct, cam, cb2, cbt, cbm, scp2, tv2, tva2, tm, ids3):
    row = lambda c: pl.BlockSpec((K, c), lambda i: (i, 0))
    return pl.pallas_call(
        _pocket_kernel,
        grid=(NB,),
        in_specs=[
            row(24), row(3), row(1), row(3), row(3), row(1),
            row(8), row(8), row(8), row(4),
            pl.BlockSpec((1, 1, K), lambda i: (i, 0, 0)),
        ],
        out_specs=pl.BlockSpec((BPAD, 16), lambda i: (0, 0)),
        out_shape=jax.ShapeDtypeStruct((BPAD, 16), jnp.float32),
    )(ca2, pct, cam, cb2, cbt, cbm, scp2, tv2, tva2, tm, ids3)



def _combine_kernel(pacc_ref, lacc_ref, affp_ref, afft_ref, affm_ref,
                    lenl_ref, ids2_ref, out_ref):
    f32 = jnp.float32
    i32 = jnp.int32
    pacc = pacc_ref[...][0:B]
    cnt = jnp.maximum(pacc[:, 11:12], 1.0)
    ca_mean = pacc[:, 0:8] / cnt
    ca_vec = jnp.sum(ca_mean[:, 0:7], axis=1, keepdims=True) / 7.0 \
        + ca_mean[:, 7:8]
    ca_loss = jnp.sum(ca_vec) / B
    cb_loss = jnp.sum(pacc[:, 8:9] / cnt) / B
    sc_loss = jnp.sum(pacc[:, 9:10] / cnt) / B
    tdd = jnp.sum(pacc[:, 10:11] / cnt) / B

    affd = affp_ref[...] - afft_ref[...]
    aff_loss = jnp.sum(affd * affd * affm_ref[...]) / B

    lacc = lacc_ref[...][0:G1]
    lcnt = jnp.maximum(lacc[:, 9:10], 1.0)
    lmean = lacc[:, 0:8] / lcnt
    cl2 = lacc[:, 8:9]

    sel = ids2_ref[...] == lax.broadcasted_iota(i32, (1, B), 1)
    inf = jnp.float32(np.inf)

    mins = []
    for t in range(T):
        bigv = jnp.where(sel, lmean[:, t:t + 1], inf)
        mins.append(jnp.min(bigv, axis=0, keepdims=True))
    coor_min = jnp.concatenate(mins, axis=0)
    coor_vec = jnp.sum(coor_min[0:7], axis=0, keepdims=True) / 7.0 \
        + coor_min[7:8]
    coor_loss = jnp.sum(coor_vec) / B

    cl2_min = jnp.min(jnp.where(sel, cl2, inf), axis=0, keepdims=True)
    rmsd = jnp.sqrt(cl2_min / lenl_ref[...])
    rmsd_value = jnp.sum(rmsd) / B
    rmsd_rate = jnp.sum((rmsd < 2.0).astype(f32)) / B

    grad_loss = (coor_loss + ca_loss + 0.5 * cb_loss + 0.5 * sc_loss
                 + aff_loss)

    lane16 = lax.broadcasted_iota(i32, (1, 16), 1)
    outv = jnp.zeros((1, 16), f32)
    for idx, s in enumerate((grad_loss, ca_loss, cb_loss, aff_loss, sc_loss,
                             tdd, coor_loss, rmsd_value, rmsd_rate)):
        outv = outv + jnp.where(lane16 == idx, s, 0.0)
    out_ref[...] = outv


def _combine_call(pacc, lacc, affp, afft, affm, lenl, ids2c):
    return pl.pallas_call(
        _combine_kernel,
        out_shape=jax.ShapeDtypeStruct((1, 16), jnp.float32),
    )(pacc, lacc, affp, afft, affm, lenl, ids2c)



def kernel(CA_pred, CB_pred, SC_pred, aff_pred, l_coor_pred, p_coor_true,
           p_CA_mask, p_CB_coor_true, p_CB_mask, aff_true, aff_mask,
           p_tor_vec_true, p_tor_vec_alt_true, p_tor_mask, l_coor_true,
           len_ligand, scatter_pocket, l_match, l_nomatch,
           scatter_ligand_1, scatter_ligand_2):
    f32 = jnp.float32
    i32 = jnp.int32

    predp = jnp.concatenate(
        [l_coor_pred.reshape(N_L, 24), jnp.zeros((N_L, 8), f32)], axis=1)
    pred4 = predp.reshape(N_L // 4, 128)
    truet = jnp.concatenate(
        [jnp.tile(l_coor_true, (1, T)), jnp.zeros((N_L, 8), f32)], axis=1)
    true4 = truet.reshape(N_L // 4, 128)
    padi = jnp.zeros((M_PAD - M,), i32)
    lmp = jnp.concatenate([l_match.astype(i32), padi])
    lnmp = jnp.concatenate([l_nomatch.astype(i32), padi])
    d2flat = _lig_call(pred4, true4, lmp, lnmp)
    d2 = d2flat[: M * 32].reshape(M, 32)
    lacc = _coor_call(d2, scatter_ligand_1.astype(i32).reshape(NBL, 1, KL))

    pacc = _pocket_call(
        CA_pred.reshape(N_P, 24), p_coor_true, p_CA_mask.reshape(N_P, 1),
        CB_pred, p_CB_coor_true, p_CB_mask.reshape(N_P, 1),
        SC_pred.reshape(N_P, 8), p_tor_vec_true.reshape(N_P, 8),
        p_tor_vec_alt_true.reshape(N_P, 8), p_tor_mask,
        scatter_pocket.astype(i32).reshape(NB, 1, K))

    out = _combine_call(
        pacc, lacc,
        aff_pred.reshape(1, B), aff_true.reshape(1, B),
        aff_mask.reshape(1, B), len_ligand.reshape(1, B),
        scatter_ligand_2.astype(i32).reshape(G1, 1))

    return (out[0, 0], out[0, 1], out[0, 2], out[0, 3], out[0, 4],
            out[0, 5], out[0, 6], out[0, 7], out[0, 8])

# --- scband reference (transcript-rebuilt; emitter-appended) ---
"""Pipeline reference for scband-loss-function-48576080118665 (READ-ONLY COPY).

The authoritative reference and input builder live on the scoring server;
editing this copy changes nothing except your own understanding.
"""

import jax, jax.numpy as jnp
import numpy as np

EPS = 1e-8
N_P = 200000; N_L = 50000; M = 400000; B = 256; G1 = 4096; T = 8; N_TOR = 4
COOR_SCALE = 10.0
GAMMA_L_COOR = 1.0; GAMMA_CA = 1.0; GAMMA_CB = 0.5; GAMMA_SC = 0.5; GAMMA_AFF = 1.0
CLAMP_RATE = 0.8; CLAMP_MAX = 20.0 / COOR_SCALE


def setup_inputs(seed: int = 0) -> dict:
    key = jax.random.key(seed)
    ks = jax.random.split(key, 21)
    return {
        "CA_pred": jax.random.normal(ks[0], (N_P, T, 3), jnp.float32),
        "CB_pred": jax.random.normal(ks[1], (N_P, 3), jnp.float32),
        "SC_pred": jax.random.normal(ks[2], (N_P, N_TOR, 2), jnp.float32),
        "aff_pred": jax.random.normal(ks[3], (B,), jnp.float32),
        "l_coor_pred": jax.random.normal(ks[4], (N_L, T, 3), jnp.float32),
        "p_coor_true": jax.random.normal(ks[5], (N_P, 3), jnp.float32),
        "p_CA_mask": jax.random.uniform(ks[6], (N_P,), jnp.float32),
        "p_CB_coor_true": jax.random.normal(ks[7], (N_P, 3), jnp.float32),
        "p_CB_mask": jax.random.uniform(ks[8], (N_P,), jnp.float32),
        "aff_true": jax.random.normal(ks[9], (B,), jnp.float32),
        "aff_mask": jax.random.uniform(ks[10], (B,), jnp.float32),
        "p_tor_vec_true": jax.random.normal(ks[11], (N_P, N_TOR, 2), jnp.float32),
        "p_tor_vec_alt_true": jax.random.normal(ks[12], (N_P, N_TOR, 2), jnp.float32),
        "p_tor_mask": jax.random.uniform(ks[13], (N_P, N_TOR), jnp.float32),
        "l_coor_true": jax.random.normal(ks[14], (N_L, 3), jnp.float32),
        "len_ligand": jax.random.uniform(ks[15], (B,), jnp.float32),
        "scatter_pocket": jnp.sort(jax.random.randint(ks[16], (N_P,), 0, B)),
        "l_match": jax.random.randint(ks[17], (M,), 0, N_L),
        "l_nomatch": jax.random.randint(ks[18], (M,), 0, N_L),
        "scatter_ligand_1": jnp.sort(jax.random.randint(ks[19], (M,), 0, G1)),
        "scatter_ligand_2": jnp.sort(jax.random.randint(ks[20], (G1,), 0, B)),
    }


def _seg_mean(x, ids, num):
    s = jax.ops.segment_sum(x, ids, num_segments=num)
    c = jax.ops.segment_sum(jnp.ones((ids.shape[0],), x.dtype), ids, num_segments=num)
    c = jnp.maximum(c, 1.0)
    return s / c.reshape(c.shape + (1,) * (x.ndim - 1))


def _seg_min(x, ids, num):
    return jax.ops.segment_min(x, ids, num_segments=num)


def _calc_cos(x1, x2):
    dot = (x1 * x2).sum(axis=-1)
    l1 = jnp.linalg.norm(x1, axis=-1)
    l2 = jnp.linalg.norm(x2, axis=-1)
    cos = dot / (l1 * l2 + EPS)
    return jnp.clip(cos, -1 + EPS * 100.0, 1 - EPS * 100.0)


def reference(CA_pred, CB_pred, SC_pred, aff_pred, l_coor_pred,
              p_coor_true, p_CA_mask, p_CB_coor_true, p_CB_mask,
              aff_true, aff_mask, p_tor_vec_true, p_tor_vec_alt_true,
              p_tor_mask, l_coor_true, len_ligand,
              scatter_pocket, l_match, l_nomatch,
              scatter_ligand_1, scatter_ligand_2):
    # CA loss
    CA_loss = ((CA_pred - p_coor_true[:, None, :]) ** 2).sum(axis=-1) * p_CA_mask[:, None]
    CA_loss = _seg_mean(CA_loss, scatter_pocket, B)
    CA_loss = (CA_loss[:, :-1].mean(axis=-1) + CA_loss[:, -1]).mean()
    # CB loss
    CB_loss = ((CB_pred - p_CB_coor_true) ** 2).sum(axis=-1) * p_CB_mask
    CB_loss = _seg_mean(CB_loss, scatter_pocket, B).mean()
    # affinity loss
    aff_loss = ((aff_pred - aff_true) ** 2 * aff_mask).mean()
    # side-chain torsion loss
    l2_sc = ((SC_pred - p_tor_vec_true) ** 2).sum(axis=-1)
    l2_sc_alt = ((SC_pred - p_tor_vec_alt_true) ** 2).sum(axis=-1)
    l2_sc = jnp.minimum(l2_sc, l2_sc_alt)
    pel_sc = jnp.abs(jnp.linalg.norm(SC_pred, axis=-1) - 1)
    sc = l2_sc + 0.01 * pel_sc
    sc = (sc * p_tor_mask).sum(axis=-1) / (p_tor_mask.sum(axis=-1) + EPS)
    sc_loss = _seg_mean(sc, scatter_pocket, B).mean()
    # torsion degree diff metric (no grad)
    err1 = jnp.abs(jnp.arccos(_calc_cos(SC_pred, p_tor_vec_true)))
    err2 = jnp.abs(jnp.arccos(_calc_cos(SC_pred, p_tor_vec_alt_true)))
    err = jnp.minimum(err1, err2)
    tdd = (err * 180.0 / np.pi * p_tor_mask).sum(axis=-1) / (p_tor_mask.sum(axis=-1) + EPS)
    tdd = jax.lax.stop_gradient(_seg_mean(tdd, scatter_pocket, B).mean())
    # ligand coordinate loss (symmetry-corrected)
    coor_pred = l_coor_pred[l_match]
    coor_true = l_coor_true[l_nomatch]
    coor_loss = jnp.linalg.norm(coor_pred - coor_true[:, None, :], axis=-1)
    # module is instantiated fresh (training=True): clamp branch active
    coor_loss_clamped = jnp.minimum(coor_loss, CLAMP_MAX)
    coor_loss = coor_loss_clamped * CLAMP_RATE + coor_loss * (1 - CLAMP_RATE)
    coor_loss = _seg_mean(coor_loss, scatter_ligand_1, G1)
    coor_loss = _seg_min(coor_loss, scatter_ligand_2, B)
    coor_grad_loss = (coor_loss[:, -1] + coor_loss[:, :-1].mean(axis=-1)).mean()
    # rmsd metrics (no grad)
    cp2 = (l_coor_pred[:, -1] * COOR_SCALE)[l_match]
    ct2 = (l_coor_true * COOR_SCALE)[l_nomatch]
    cl2 = ((cp2 - ct2) ** 2).sum(axis=-1)
    cl2 = jax.ops.segment_sum(cl2, scatter_ligand_1, num_segments=G1)
    cl2 = _seg_min(cl2, scatter_ligand_2, B)
    rmsd = (cl2 / len_ligand) ** 0.5
    rmsd_value = jax.lax.stop_gradient(rmsd.mean())
    rmsd_rate = jax.lax.stop_gradient((rmsd < 2.0).astype(rmsd.dtype).mean())
    grad_loss = (GAMMA_L_COOR * coor_grad_loss + GAMMA_CA * CA_loss + GAMMA_CB * CB_loss
                 + GAMMA_SC * sc_loss + GAMMA_AFF * aff_loss)
    return (grad_loss, CA_loss, CB_loss, aff_loss, sc_loss, tdd, coor_grad_loss, rmsd_value, rmsd_rate)

if __name__ == "__main__":
    import jax
    _d = setup_inputs()
    print(jax.jit(kernel)(*tuple(_d.values())))

</pallas_src>

<mosaic_0001>
#map = affine_map<(d0, d1) -> (0, 0)>
#map1 = affine_map<(d0, d1) -> (0)>
module attributes {stable_mosaic.version = 14 : i64} {
  func.func @_lig_body(%arg0: i32, %arg1: i32, %arg2: memref<12500x128xf32, #tpu.memory_space<hbm>>, %arg3: memref<12500x128xf32, #tpu.memory_space<hbm>>, %arg4: memref<409600xi32, #tpu.memory_space<hbm>>, %arg5: memref<409600xi32, #tpu.memory_space<hbm>>, %arg6: memref<13107200xf32, #tpu.memory_space<hbm>>, %arg7: memref<256xi32, #tpu.memory_space<vmem>>, %arg8: memref<256xi32, #tpu.memory_space<vmem>>, %arg9: memref<256xi32, #tpu.memory_space<vmem>>, %arg10: memref<256xi32, #tpu.memory_space<vmem>>, %arg11: memref<256x128xf32, #tpu.memory_space<vmem>>, %arg12: memref<256x128xf32, #tpu.memory_space<vmem>>, %arg13: memref<8192xf32, #tpu.memory_space<vmem>>, %arg14: memref<!tpu.dma_semaphore, #tpu.memory_space<semaphore_mem>>, %arg15: memref<!tpu.dma_semaphore, #tpu.memory_space<semaphore_mem>>) attributes {dimension_semantics = [#tpu.dimension_semantics<core_parallel>, #tpu.dimension_semantics<subcore_parallel>], iteration_bounds = array<i64: 2, 16>, scalar_prefetch = 0 : i64, scratch_operands = 9 : i64, tpu.core_type = #tpu.core_type<sc_vector_subcore>, window_params = [{transform_indices = #map}, {transform_indices = #map}, {transform_indices = #map1}, {transform_indices = #map1}, {transform_indices = #map1}]} {
    %mul3A = arith.constant 2 : i32
    %mul3A_0 = arith.muli %arg1, %mul3A : i32
    %add3A = arith.addi %mul3A_0, %arg0 : i32
    %mul3A_1 = arith.constant 12800 : i32
    %mul3A_2 = arith.muli %add3A, %mul3A_1 : i32
    %scan3A = arith.constant 0 : i32
    %scan3A_3 = arith.constant 0 : i32
    %scan3A_4 = arith.constant 50 : i32
    %scan3A_5 = arith.addi %scan3A_3, %scan3A_4 : i32
    %scan3A_6 = arith.constant 1 : i32
    %scan3A_7 = scf.for %scan3A_9 = %scan3A_3 to %scan3A_5 step %scan3A_6 iter_args(%scan3A_10 = %scan3A) -> (i32)  : i32 {
      %mul3A_11 = arith.constant 256 : i32
      %mul3A_12 = arith.muli %scan3A_9, %mul3A_11 : i32
      %add3A_13 = arith.addi %mul3A_2, %mul3A_12 : i32
      "tpu.region"() ({
        %run_scoped3A = tpu.sem_alloc : memref<!tpu.dma_semaphore, #tpu.memory_space<semaphore_mem>>
        %dma_start3A_41 = tpu.memref_slice %arg4[%add3A_13] : memref<409600xi32, #tpu.memory_space<hbm>> -> memref<256xi32, #tpu.memory_space<hbm>>
        %dma_start3A_42 = tpu.memref_slice %arg4[%add3A_13] : memref<409600xi32, #tpu.memory_space<hbm>> -> memref<256xi32, #tpu.memory_space<hbm>>
        tpu.enqueue_dma source(%dma_start3A_42 : memref<256xi32, #tpu.memory_space<hbm>>) target(%arg7 : memref<256xi32, #tpu.memory_space<vmem>>) target_semaphore(%run_scoped3A : memref<!tpu.dma_semaphore, #tpu.memory_space<semaphore_mem>>)
        %dma_wait3A_43 = tpu.memref_slice %arg4[%add3A_13] : memref<409600xi32, #tpu.memory_space<hbm>> -> memref<256xi32, #tpu.memory_space<hbm>>
        %dma_wait3A_44 = tpu.memref_slice %arg4[%add3A_13] : memref<409600xi32, #tpu.memory_space<hbm>> -> memref<256xi32, #tpu.memory_space<hbm>>
        tpu.wait_dma2 semaphore(%run_scoped3A : memref<!tpu.dma_semaphore, #tpu.memory_space<semaphore_mem>>) src(%dma_wait3A_44 : memref<256xi32, #tpu.memory_space<hbm>>) dst(%arg7 : memref<256xi32, #tpu.memory_space<vmem>>)
        tpu.yield
      }) : () -> ()
      "tpu.region"() ({
        %run_scoped3A = tpu.sem_alloc : memref<!tpu.dma_semaphore, #tpu.memory_space<semaphore_mem>>
        %dma_start3A_41 = tpu.memref_slice %arg5[%add3A_13] : memref<409600xi32, #tpu.memory_space<hbm>> -> memref<256xi32, #tpu.memory_space<hbm>>
        %dma_start3A_42 = tpu.memref_slice %arg5[%add3A_13] : memref<409600xi32, #tpu.memory_space<hbm>> -> memref<256xi32, #tpu.memory_space<hbm>>
        tpu.enqueue_dma source(%dma_start3A_42 : memref<256xi32, #tpu.memory_space<hbm>>) target(%arg8 : memref<256xi32, #tpu.memory_space<vmem>>) target_semaphore(%run_scoped3A : memref<!tpu.dma_semaphore, #tpu.memory_space<semaphore_mem>>)
        %dma_wait3A_43 = tpu.memref_slice %arg5[%add3A_13] : memref<409600xi32, #tpu.memory_space<hbm>> -> memref<256xi32, #tpu.memory_space<hbm>>
        %dma_wait3A_44 = tpu.memref_slice %arg5[%add3A_13] : memref<409600xi32, #tpu.memory_space<hbm>> -> memref<256xi32, #tpu.memory_space<hbm>>
        tpu.wait_dma2 semaphore(%run_scoped3A : memref<!tpu.dma_semaphore, #tpu.memory_space<semaphore_mem>>) src(%dma_wait3A_44 : memref<256xi32, #tpu.memory_space<hbm>>) dst(%arg8 : memref<256xi32, #tpu.memory_space<vmem>>)
        tpu.yield
      }) : () -> ()
      %scan3A_14 = arith.constant 0 : i32
      %scan3A_15 = arith.constant 0 : i32
      %scan3A_16 = arith.constant 16 : i32
      %scan3A_17 = arith.addi %scan3A_15, %scan3A_16 : i32
      %scan3A_18 = arith.constant 1 : i32
      %scan3A_19 = scf.for %scan3A_41 = %scan3A_15 to %scan3A_17 step %scan3A_18 iter_args(%scan3A_42 = %scan3A_14) -> (i32)  : i32 {
        %mul3A_43 = arith.constant 16 : i32
        %mul3A_44 = arith.muli %scan3A_41, %mul3A_43 : i32
        %get3A = arith.index_cast %mul3A_44 : i32 to index
        %get3A_45 = tpu.vector_load %arg7[%get3A] {strides = array<i32>} : memref<256xi32, #tpu.memory_space<vmem>>, vector<16xi32>,
        %get3A_46 = vector.shape_cast %get3A_45 : vector<16xi32> to vector<16xi32>
        %mul3A_47 = arith.constant 16 : i32
        %mul3A_48 = arith.muli %scan3A_41, %mul3A_47 : i32
        %get3A_49 = arith.index_cast %mul3A_48 : i32 to index
        %get3A_50 = tpu.vector_load %arg8[%get3A_49] {strides = array<i32>} : memref<256xi32, #tpu.memory_space<vmem>>, vector<16xi32>,
        %get3A_51 = vector.shape_cast %get3A_50 : vector<16xi32> to vector<16xi32>
        %shift_right_logical3A = arith.constant 2 : i32
        %shift_right_logical3A_52 = vector.broadcast %shift_right_logical3A : i32 to vector<16xi32>
        %shift_right_logical3A_53 = arith.shrui %get3A_46, %shift_right_logical3A_52 : vector<16xi32>
        %mul3A_54 = arith.constant 16 : i32
        %mul3A_55 = arith.muli %scan3A_41, %mul3A_54 : i32
        %swap3A = arith.index_cast %mul3A_55 : i32 to index
        %swap3A_56 = tpu.vector_load %arg9[%swap3A] {strides = array<i32>} : memref<256xi32, #tpu.memory_space<vmem>>, vector<16xi32>,
        %swap3A_57 = vector.shape_cast %swap3A_56 : vector<16xi32> to vector<16xi32>
        %swap3A_58 = vector.shape_cast %shift_right_logical3A_53 : vector<16xi32> to vector<16xi32>
        tpu.vector_store %arg9[%swap3A], %swap3A_58 {strides = array<i32>} : memref<256xi32, #tpu.memory_space<vmem>>, vector<16xi32>,
        %shift_right_logical3A_59 = arith.constant 2 : i32
        %shift_right_logical3A_60 = vector.broadcast %shift_right_logical3A_59 : i32 to vector<16xi32>
        %shift_right_logical3A_61 = arith.shrui %get3A_51, %shift_right_logical3A_60 : vector<16xi32>
        %mul3A_62 = arith.constant 16 : i32
        %mul3A_63 = arith.muli %scan3A_41, %mul3A_62 : i32
        %swap3A_64 = arith.index_cast %mul3A_63 : i32 to index
        %swap3A_65 = tpu.vector_load %arg10[%swap3A_64] {strides = array<i32>} : memref<256xi32, #tpu.memory_space<vmem>>, vector<16xi32>,
        %swap3A_66 = vector.shape_cast %swap3A_65 : vector<16xi32> to vector<16xi32>
        %swap3A_67 = vector.shape_cast %shift_right_logical3A_61 : vector<16xi32> to vector<16xi32>
        tpu.vector_store %arg10[%swap3A_64], %swap3A_67 {strides = array<i32>} : memref<256xi32, #tpu.memory_space<vmem>>, vector<16xi32>,
        %scan3A_68 = arith.constant 0 : i32
        scf.yield %scan3A_68 : i32
      }
      %scan3A_20 = arith.constant 16 : i32
      %dma_start3A = arith.constant 0 : i32
      %dma_start3A_21 = arith.constant 0 : i32
      %dma_start3A_22 = tpu.memref_slice %arg2[%dma_start3A, %dma_start3A_21] : memref<12500x128xf32, #tpu.memory_space<hbm>> -> memref<12500x128xf32, #tpu.memory_space<hbm>>
      tpu.enqueue_indirect_dma source(%dma_start3A_22 : memref<12500x128xf32, #tpu.memory_space<hbm>>) target(%arg11 : memref<256x128xf32, #tpu.memory_space<vmem>>) offsets(%arg9 : memref<256xi32, #tpu.memory_space<vmem>>) semaphore(%arg14 : memref<!tpu.dma_semaphore, #tpu.memory_space<semaphore_mem>>)
      %dma_start3A_23 = arith.constant 0 : i32
      %dma_start3A_24 = arith.constant 0 : i32
      %dma_start3A_25 = tpu.memref_slice %arg3[%dma_start3A_23, %dma_start3A_24] : memref<12500x128xf32, #tpu.memory_space<hbm>> -> memref<12500x128xf32, #tpu.memory_space<hbm>>
      tpu.enqueue_indirect_dma source(%dma_start3A_25 : memref<12500x128xf32, #tpu.memory_space<hbm>>) target(%arg12 : memref<256x128xf32, #tpu.memory_space<vmem>>) offsets(%arg10 : memref<256xi32, #tpu.memory_space<vmem>>) semaphore(%arg15 : memref<!tpu.dma_semaphore, #tpu.memory_space<semaphore_mem>>)
      %dma_wait3A = arith.constant 0 : i32
      %dma_wait3A_26 = arith.constant 0 : i32
      %dma_wait3A_27 = tpu.memref_slice %arg2[%dma_wait3A, %dma_wait3A_26] : memref<12500x128xf32, #tpu.memory_space<hbm>> -> memref<12500x128xf32, #tpu.memory_space<hbm>>
      tpu.wait_indirect_dma semaphore(%arg14 : memref<!tpu.dma_semaphore, #tpu.memory_space<semaphore_mem>>) src(%dma_wait3A_27 : memref<12500x128xf32, #tpu.memory_space<hbm>>) dst(%arg11 : memref<256x128xf32, #tpu.memory_space<vmem>>)
      %dma_wait3A_28 = arith.constant 0 : i32
      %dma_wait3A_29 = arith.constant 0 : i32
      %dma_wait3A_30 = tpu.memref_slice %arg3[%dma_wait3A_28, %dma_wait3A_29] : memref<12500x128xf32, #tpu.memory_space<hbm>> -> memref<12500x128xf32, #tpu.memory_space<hbm>>
      tpu.wait_indirect_dma semaphore(%arg15 : memref<!tpu.dma_semaphore, #tpu.memory_space<semaphore_mem>>) src(%dma_wait3A_30 : memref<12500x128xf32, #tpu.memory_space<hbm>>) dst(%arg12 : memref<256x128xf32, #tpu.memory_space<vmem>>)
      %scan3A_31 = arith.constant 0 : i32
      %scan3A_32 = arith.constant 0 : i32
      %scan3A_33 = arith.constant 16 : i32
      %scan3A_34 = arith.addi %scan3A_32, %scan3A_33 : i32
      %scan3A_35 = arith.constant 1 : i32
      %scan3A_36 = scf.for %scan3A_41 = %scan3A_32 to %scan3A_34 step %scan3A_35 iter_args(%scan3A_42 = %scan3A_31) -> (i32)  : i32 {
        %mul3A_43 = arith.constant 16 : i32
        %mul3A_44 = arith.muli %scan3A_41, %mul3A_43 : i32
        %get3A = arith.index_cast %mul3A_44 : i32 to index
        %get3A_45 = tpu.vector_load %arg7[%get3A] {strides = array<i32>} : memref<256xi32, #tpu.memory_space<vmem>>, vector<16xi32>,
        %get3A_46 = vector.shape_cast %get3A_45 : vector<16xi32> to vector<16xi32>
        %get3A_47 = arith.index_cast %mul3A_44 : i32 to index
        %get3A_48 = tpu.vector_load %arg8[%get3A_47] {strides = array<i32>} : memref<256xi32, #tpu.memory_space<vmem>>, vector<16xi32>,
        %get3A_49 = vector.shape_cast %get3A_48 : vector<16xi32> to vector<16xi32>
        %add3A_50 = arith.constant 0 : i32
        %add3A_51 = arith.addi %mul3A_44, %add3A_50 : i32
        %slice3A = vector.extract_strided_slice %get3A_46 {offsets = [0], sizes = [1], strides = [1]} : vector<16xi32> to vector<1xi32>
        %squeeze3A = vector.extract %slice3A[0] : i32 from vector<1xi32>
        %and3A = arith.constant 3 : i32
        %and3A_52 = arith.andi %squeeze3A, %and3A : i32
        %mul3A_53 = arith.constant 32 : i32
        %mul3A_54 = arith.muli %and3A_52, %mul3A_53 : i32
        %slice3A_55 = vector.extract_strided_slice %get3A_49 {offsets = [0], sizes = [1], strides = [1]} : vector<16xi32> to vector<1xi32>
        %squeeze3A_56 = vector.extract %slice3A_55[0] : i32 from vector<1xi32>
        %and3A_57 = arith.constant 3 : i32
        %and3A_58 = arith.andi %squeeze3A_56, %and3A_57 : i32
        %mul3A_59 = arith.constant 32 : i32
        %mul3A_60 = arith.muli %and3A_58, %mul3A_59 : i32
        %get3A_61 = arith.index_cast %add3A_51 : i32 to index
        %get3A_62 = arith.index_cast %mul3A_54 : i32 to index
        %get3A_63 = tpu.vector_load %arg11[%get3A_61, %get3A_62] {strides = array<i32>} : memref<256x128xf32, #tpu.memory_space<vmem>>, vector<1x16xf32>,
        %get3A_64 = vector.shape_cast %get3A_63 : vector<1x16xf32> to vector<16xf32>
        %add3A_65 = arith.constant 16 : i32
        %add3A_66 = arith.addi %mul3A_54, %add3A_65 : i32
        %get3A_67 = arith.index_cast %add3A_51 : i32 to index
        %get3A_68 = arith.index_cast %add3A_66 : i32 to index
        %get3A_69 = tpu.vector_load %arg11[%get3A_67, %get3A_68] {strides = array<i32>} : memref<256x128xf32, #tpu.memory_space<vmem>>, vector<1x16xf32>,
        %get3A_70 = vector.shape_cast %get3A_69 : vector<1x16xf32> to vector<16xf32>
        %get3A_71 = arith.index_cast %add3A_51 : i32 to index
        %get3A_72 = arith.index_cast %mul3A_60 : i32 to index
        %get3A_73 = tpu.vector_load %arg12[%get3A_71, %get3A_72] {strides = array<i32>} : memref<256x128xf32, #tpu.memory_space<vmem>>, vector<1x16xf32>,
        %get3A_74 = vector.shape_cast %get3A_73 : vector<1x16xf32> to vector<16xf32>
        %add3A_75 = arith.constant 16 : i32
        %add3A_76 = arith.addi %mul3A_60, %add3A_75 : i32
        %get3A_77 = arith.index_cast %add3A_51 : i32 to index
        %get3A_78 = arith.index_cast %add3A_76 : i32 to index
        %get3A_79 = tpu.vector_load %arg12[%get3A_77, %get3A_78] {strides = array<i32>} : memref<256x128xf32, #tpu.memory_space<vmem>>, vector<1x16xf32>,
        %get3A_80 = vector.shape_cast %get3A_79 : vector<1x16xf32> to vector<16xf32>
        %sub3A = arith.subf %get3A_64, %get3A_74 : vector<16xf32>
        %sub3A_81 = arith.subf %get3A_70, %get3A_80 : vector<16xf32>
        %mul3A_82 = arith.mulf %sub3A, %sub3A : vector<16xf32>
        %mul3A_83 = arith.constant 32 : i32
        %mul3A_84 = arith.muli %add3A_51, %mul3A_83 : i32
        %swap3A = arith.index_cast %mul3A_84 : i32 to index
        %swap3A_85 = tpu.vector_load %arg13[%swap3A] {strides = array<i32>} : memref<8192xf32, #tpu.memory_space<vmem>>, vector<16xf32>,
        %swap3A_86 = vector.shape_cast %swap3A_85 : vector<16xf32> to vector<16xf32>
        %swap3A_87 = vector.shape_cast %mul3A_82 : vector<16xf32> to vector<16xf32>
        tpu.vector_store %arg13[%swap3A], %swap3A_87 {strides = array<i32>} : memref<8192xf32, #tpu.memory_space<vmem>>, vector<16xf32>,
        %mul3A_88 = arith.mulf %sub3A_81, %sub3A_81 : vector<16xf32>
        %mul3A_89 = arith.constant 32 : i32
        %mul3A_90 = arith.muli %add3A_51, %mul3A_89 : i32
        %add3A_91 = arith.constant 16 : i32
        %add3A_92 = arith.addi %mul3A_90, %add3A_91 : i32
        %swap3A_93 = arith.index_cast %add3A_92 : i32 to index
        %swap3A_94 = tpu.vector_load %arg13[%swap3A_93] {strides = array<i32>} : memref<8192xf32, #tpu.memory_space<vmem>>, vector<16xf32>,
        %swap3A_95 = vector.shape_cast %swap3A_94 : vector<16xf32> to vector<16xf32>
        %swap3A_96 = vector.shape_cast %mul3A_88 : vector<16xf32> to vector<16xf32>
        tpu.vector_store %arg13[%swap3A_93], %swap3A_96 {strides = array<i32>} : memref<8192xf32, #tpu.memory_space<vmem>>, vector<16xf32>,
        %add3A_97 = arith.constant 1 : i32
        %add3A_98 = arith.addi %mul3A_44, %add3A_97 : i32
        %slice3A_99 = vector.extract_strided_slice %get3A_46 {offsets = [1], sizes = [1], strides = [1]} : vector<16xi32> to vector<1xi32>
        %squeeze3A_100 = vector.extract %slice3A_99[0] : i32 from vector<1xi32>
        %and3A_101 = arith.constant 3 : i32
        %and3A_102 = arith.andi %squeeze3A_100, %and3A_101 : i32
        %mul3A_103 = arith.constant 32 : i32
        %mul3A_104 = arith.muli %and3A_102, %mul3A_103 : i32
        %slice3A_105 = vector.extract_strided_slice %get3A_49 {offsets = [1], sizes = [1], strides = [1]} : vector<16xi32> to vector<1xi32>
        %squeeze3A_106 = vector.extract %slice3A_105[0] : i32 from vector<1xi32>
        %and3A_107 = arith.constant 3 : i32
        %and3A_108 = arith.andi %squeeze3A_106, %and3A_107 : i32
        %mul3A_109 = arith.constant 32 : i32
        %mul3A_110 = arith.muli %and3A_108, %mul3A_109 : i32
        %get3A_111 = arith.index_cast %add3A_98 : i32 to index
        %get3A_112 = arith.index_cast %mul3A_104 : i32 to index
        %get3A_113 = tpu.vector_load %arg11[%get3A_111, %get3A_112] {strides = array<i32>} : memref<256x128xf32, #tpu.memory_space<vmem>>, vector<1x16xf32>,
        %get3A_114 = vector.shape_cast %get3A_113 : vector<1x16xf32> to vector<16xf32>
        %add3A_115 = arith.constant 16 : i32
        %add3A_116 = arith.addi %mul3A_104, %add3A_115 : i32
        %get3A_117 = arith.index_cast %add3A_98 : i32 to index
        %get3A_118 = arith.index_cast %add3A_116 : i32 to index
        %get3A_119 = tpu.vector_load %arg11[%get3A_117, %get3A_118] {strides = array<i32>} : memref<256x128xf32, #tpu.memory_space<vmem>>, vector<1x16xf32>,
        %get3A_120 = vector.shape_cast %get3A_119 : vector<1x16xf32> to vector<16xf32>
        %get3A_121 = arith.index_cast %add3A_98 : i32 to index
        %get3A_122 = arith.index_cast %mul3A_110 : i32 to index
        %get3A_123 = tpu.vector_load %arg12[%get3A_121, %get3A_122] {strides = array<i32>} : memref<256x128xf32, #tpu.memory_space<vmem>>, vector<1x16xf32>,
        %get3A_124 = vector.shape_cast %get3A_123 : vector<1x16xf32> to vector<16xf32>
        %add3A_125 = arith.constant 16 : i32
        %add3A_126 = arith.addi %mul3A_110, %add3A_125 : i32
        %get3A_127 = arith.index_cast %add3A_98 : i32 to index
        %get3A_128 = arith.index_cast %add3A_126 : i32 to index
        %get3A_129 = tpu.vector_load %arg12[%get3A_127, %get3A_128] {strides = array<i32>} : memref<256x128xf32, #tpu.memory_space<vmem>>, vector<1x16xf32>,
        %get3A_130 = vector.shape_cast %get3A_129 : vector<1x16xf32> to vector<16xf32>
        %sub3A_131 = arith.subf %get3A_114, %get3A_124 : vector<16xf32>
        %sub3A_132 = arith.subf %get3A_120, %get3A_130 : vector<16xf32>
        %mul3A_133 = arith.mulf %sub3A_131, %sub3A_131 : vector<16xf32>
        %mul3A_134 = arith.constant 32 : i32
        %mul3A_135 = arith.muli %add3A_98, %mul3A_134 : i32
        %swap3A_136 = arith.index_cast %mul3A_135 : i32 to index
        %swap3A_137 = tpu.vector_load %arg13[%swap3A_136] {strides = array<i32>} : memref<8192xf32, #tpu.memory_space<vmem>>, vector<16xf32>,
        %swap3A_138 = vector.shape_cast %swap3A_137 : vector<16xf32> to vector<16xf32>
        %swap3A_139 = vector.shape_cast %mul3A_133 : vector<16xf32> to vector<16xf32>
        tpu.vector_store %arg13[%swap3A_136], %swap3A_139 {strides = array<i32>} : memref<8192xf32, #tpu.memory_space<vmem>>, vector<16xf32>,
        %mul3A_140 = arith.mulf %sub3A_132, %sub3A_132 : vector<16xf32>
        %mul3A_141 = arith.constant 32 : i32
        %mul3A_142 = arith.muli %add3A_98, %mul3A_141 : i32
        %add3A_143 = arith.constant 16 : i32
        %add3A_144 = arith.addi %mul3A_142, %add3A_143 : i32
        %swap3A_145 = arith.index_cast %add3A_144 : i32 to index
        %swap3A_146 = tpu.vector_load %arg13[%swap3A_145] {strides = array<i32>} : memref<8192xf32, #tpu.memory_space<vmem>>, vector<16xf32>,
        %swap3A_147 = vector.shape_cast %swap3A_146 : vector<16xf32> to vector<16xf32>
        %swap3A_148 = vector.shape_cast %mul3A_140 : vector<16xf32> to vector<16xf32>
        tpu.vector_store %arg13[%swap3A_145], %swap3A_148 {strides = array<i32>} : memref<8192xf32, #tpu.memory_space<vmem>>, vector<16xf32>,
        %add3A_149 = arith.constant 2 : i32
        %add3A_150 = arith.addi %mul3A_44, %add3A_149 : i32
        %slice3A_151 = vector.extract_strided_slice %get3A_46 {offsets = [2], sizes = [1], strides = [1]} : vector<16xi32> to vector<1xi32>
        %squeeze3A_152 = vector.extract %slice3A_151[0] : i32 from vector<1xi32>
        %and3A_153 = arith.constant 3 : i32
        %and3A_154 = arith.andi %squeeze3A_152, %and3A_153 : i32
        %mul3A_155 = arith.constant 32 : i32
        %mul3A_156 = arith.muli %and3A_154, %mul3A_155 : i32
        %slice3A_157 = vector.extract_strided_slice %get3A_49 {offsets = [2], sizes = [1], strides = [1]} : vector<16xi32> to vector<1xi32>
        %squeeze3A_158 = vector.extract %slice3A_157[0] : i32 from vector<1xi32>
        %and3A_159 = arith.constant 3 : i32
        %and3A_160 = arith.andi %squeeze3A_158, %and3A_159 : i32
        %mul3A_161 = arith.constant 32 : i32
        %mul3A_162 = arith.muli %and3A_160, %mul3A_161 : i32
        %get3A_163 = arith.index_cast %add3A_150 : i32 to index
        %get3A_164 = arith.index_cast %mul3A_156 : i32 to index
        %get3A_165 = tpu.vector_load %arg11[%get3A_163, %get3A_164] {strides = array<i32>} : memref<256x128xf32, #tpu.memory_space<vmem>>, vector<1x16xf32>,
        %get3A_166 = vector.shape_cast %get3A_165 : vector<1x16xf32> to vector<16xf32>
        %add3A_167 = arith.constant 16 : i32
        %add3A_168 = arith.addi %mul3A_156, %add3A_167 : i32
        %get3A_169 = arith.index_cast %add3A_150 : i32 to index
        %get3A_170 = arith.index_cast %add3A_168 : i32 to index
        %get3A_171 = tpu.vector_load %arg11[%get3A_169, %get3A_170] {strides = array<i32>} : memref<256x128xf32, #tpu.memory_space<vmem>>, vector<1x16xf32>,
        %get3A_172 = vector.shape_cast %get3A_171 : vector<1x16xf32> to vector<16xf32>
        %get3A_173 = arith.index_cast %add3A_150 : i32 to index
        %get3A_174 = arith.index_cast %mul3A_162 : i32 to index
        %get3A_175 = tpu.vector_load %arg12[%get3A_173, %get3A_174] {strides = array<i32>} : memref<256x128xf32, #tpu.memory_space<vmem>>, vector<1x16xf32>,
        %get3A_176 = vector.shape_cast %get3A_175 : vector<1x16xf32> to vector<16xf32>
        %add3A_177 = arith.constant 16 : i32
        %add3A_178 = arith.addi %mul3A_162, %add3A_177 : i32
        %get3A_179 = arith.index_cast %add3A_150 : i32 to index
        %get3A_180 = arith.index_cast %add3A_178 : i32 to index
        %get3A_181 = tpu.vector_load %arg12[%get3A_179, %get3A_180] {strides = array<i32>} : memref<256x128xf32, #tpu.memory_space<vmem>>, vector<1x16xf32>,
        %get3A_182 = vector.shape_cast %get3A_181 : vector<1x16xf32> to vector<16xf32>
        %sub3A_183 = arith.subf %get3A_166, %get3A_176 : vector<16xf32>
        %sub3A_184 = arith.subf %get3A_172, %get3A_182 : vector<16xf32>
        %mul3A_185 = arith.mulf %sub3A_183, %sub3A_183 : vector<16xf32>
        %mul3A_186 = arith.constant 32 : i32
        %mul3A_187 = arith.muli %add3A_150, %mul3A_186 : i32
        %swap3A_188 = arith.index_cast %mul3A_187 : i32 to index
        %swap3A_189 = tpu.vector_load %arg13[%swap3A_188] {strides = array<i32>} : memref<8192xf32, #tpu.memory_space<vmem>>, vector<16xf32>,
        %swap3A_190 = vector.shape_cast %swap3A_189 : vector<16xf32> to vector<16xf32>
        %swap3A_191 = vector.shape_cast %mul3A_185 : vector<16xf32> to vector<16xf32>
        tpu.vector_store %arg13[%swap3A_188], %swap3A_191 {strides = array<i32>} : memref<8192xf32, #tpu.memory_space<vmem>>, vector<16xf32>,
        %mul3A_192 = arith.mulf %sub3A_184, %sub3A_184 : vector<16xf32>
        %mul3A_193 = arith.constant 32 : i32
        %mul3A_194 = arith.muli %add3A_150, %mul3A_193 : i32
        %add3A_195 = arith.constant 16 : i32
        %add3A_196 = arith.addi %mul3A_194, %add3A_195 : i32
        %swap3A_197 = arith.index_cast %add3A_196 : i32 to index
        %swap3A_198 = tpu.vector_load %arg13[%swap3A_197] {strides = array<i32>} : memref<8192xf32, #tpu.memory_space<vmem>>, vector<16xf32>,
        %swap3A_199 = vector.shape_cast %swap3A_198 : vector<16xf32> to vector<16xf32>
        %swap3A_200 = vector.shape_cast %mul3A_192 : vector<16xf32> to vector<16xf32>
        tpu.vector_store %arg13[%swap3A_197], %swap3A_200 {strides = array<i32>} : memref<8192xf32, #tpu.memory_space<vmem>>, vector<16xf32>,
        %add3A_201 = arith.constant 3 : i32
        %add3A_202 = arith.addi %mul3A_44, %add3A_201 : i32
        %slice3A_203 = vector.extract_strided_slice %get3A_46 {offsets = [3], sizes = [1], strides = [1]} : vector<16xi32> to vector<1xi32>
        %squeeze3A_204 = vector.extract %slice3A_203[0] : i32 from vector<1xi32>
        %and3A_205 = arith.constant 3 : i32
        %and3A_206 = arith.andi %squeeze3A_204, %and3A_205 : i32
        %mul3A_207 = arith.constant 32 : i32
        %mul3A_208 = arith.muli %and3A_206, %mul3A_207 : i32
        %slice3A_209 = vector.extract_strided_slice %get3A_49 {offsets = [3], sizes = [1], strides = [1]} : vector<16xi32> to vector<1xi32>
        %squeeze3A_210 = vector.extract %slice3A_209[0] : i32 from vector<1xi32>
        %and3A_211 = arith.constant 3 : i32
        %and3A_212 = arith.andi %squeeze3A_210, %and3A_211 : i32
        %mul3A_213 = arith.constant 32 : i32
        %mul3A_214 = arith.muli %and3A_212, %mul3A_213 : i32
        %get3A_215 = arith.index_cast %add3A_202 : i32 to index
        %get3A_216 = arith.index_cast %mul3A_208 : i32 to index
        %get3A_217 = tpu.vector_load %arg11[%get3A_215, %get3A_216] {strides = array<i32>} : memref<256x128xf32, #tpu.memory_space<vmem>>, vector<1x16xf32>,
        %get3A_218 = vector.shape_cast %get3A_217 : vector<1x16xf32> to vector<16xf32>
        %add3A_219 = arith.constant 16 : i32
        %add3A_220 = arith.addi %mul3A_208, %add3A_219 : i32
        %get3A_221 = arith.index_cast %add3A_202 : i32 to index
        %get3A_222 = arith.index_cast %add3A_220 : i32 to index
        %get3A_223 = tpu.vector_load %arg11[%get3A_221, %get3A_222] {strides = array<i32>} : memref<256x128xf32, #tpu.memory_space<vmem>>, vector<1x16xf32>,
        %get3A_224 = vector.shape_cast %get3A_223 : vector<1x16xf32> to vector<16xf32>
        %get3A_225 = arith.index_cast %add3A_202 : i32 to index
        %get3A_226 = arith.index_cast %mul3A_214 : i32 to index
        %get3A_227 = tpu.vector_load %arg12[%get3A_225, %get3A_226] {strides = array<i32>} : memref<256x128xf32, #tpu.memory_space<vmem>>, vector<1x16xf32>,
        %get3A_228 = vector.shape_cast %get3A_227 : vector<1x16xf32> to vector<16xf32>
        %add3A_229 = arith.constant 16 : i32
        %add3A_230 = arith.addi %mul3A_214, %add3A_229 : i32
        %get3A_231 = arith.index_cast %add3A_202 : i32 to index
        %get3A_232 = arith.index_cast %add3A_230 : i32 to index
        %get3A_233 = tpu.vector_load %arg12[%get3A_231, %get3A_232] {strides = array<i32>} : memref<256x128xf32, #tpu.memory_space<vmem>>, vector<1x16xf32>,
        %get3A_234 = vector.shape_cast %get3A_233 : vector<1x16xf32> to vector<16xf32>
        %sub3A_235 = arith.subf %get3A_218, %get3A_228 : vector<16xf32>
        %sub3A_236 = arith.subf %get3A_224, %get3A_234 : vector<16xf32>
        %mul3A_237 = arith.mulf %sub3A_235, %sub3A_235 : vector<16xf32>
        %mul3A_238 = arith.constant 32 : i32
        %mul3A_239 = arith.muli %add3A_202, %mul3A_238 : i32
        %swap3A_240 = arith.index_cast %mul3A_239 : i32 to index
        %swap3A_241 = tpu.vector_load %arg13[%swap3A_240] {strides = array<i32>} : memref<8192xf32, #tpu.memory_space<vmem>>, vector<16xf32>,
        %swap3A_242 = vector.shape_cast %swap3A_241 : vector<16xf32> to vector<16xf32>
        %swap3A_243 = vector.shape_cast %mul3A_237 : vector<16xf32> to vector<16xf32>
        tpu.vector_store %arg13[%swap3A_240], %swap3A_243 {strides = array<i32>} : memref<8192xf32, #tpu.memory_space<vmem>>, vector<16xf32>,
        %mul3A_244 = arith.mulf %sub3A_236, %sub3A_236 : vector<16xf32>
        %mul3A_245 = arith.constant 32 : i32
        %mul3A_246 = arith.muli %add3A_202, %mul3A_245 : i32
        %add3A_247 = arith.constant 16 : i32
        %add3A_248 = arith.addi %mul3A_246, %add3A_247 : i32
        %swap3A_249 = arith.index_cast %add3A_248 : i32 to index
        %swap3A_250 = tpu.vector_load %arg13[%swap3A_249] {strides = array<i32>} : memref<8192xf32, #tpu.memory_space<vmem>>, vector<16xf32>,
        %swap3A_251 = vector.shape_cast %swap3A_250 : vector<16xf32> to vector<16xf32>
        %swap3A_252 = vector.shape_cast %mul3A_244 : vector<16xf32> to vector<16xf32>
        tpu.vector_store %arg13[%swap3A_249], %swap3A_252 {strides = array<i32>} : memref<8192xf32, #tpu.memory_space<vmem>>, vector<16xf32>,
        %add3A_253 = arith.constant 4 : i32
        %add3A_254 = arith.addi %mul3A_44, %add3A_253 : i32
        %slice3A_255 = vector.extract_strided_slice %get3A_46 {offsets = [4], sizes = [1], strides = [1]} : vector<16xi32> to vector<1xi32>
        %squeeze3A_256 = vector.extract %slice3A_255[0] : i32 from vector<1xi32>
        %and3A_257 = arith.constant 3 : i32
        %and3A_258 = arith.andi %squeeze3A_256, %and3A_257 : i32
        %mul3A_259 = arith.constant 32 : i32
        %mul3A_260 = arith.muli %and3A_258, %mul3A_259 : i32
        %slice3A_261 = vector.extract_strided_slice %get3A_49 {offsets = [4], sizes = [1], strides = [1]} : vector<16xi32> to vector<1xi32>
        %squeeze3A_262 = vector.extract %slice3A_261[0] : i32 from vector<1xi32>
        %and3A_263 = arith.constant 3 : i32
        %and3A_264 = arith.andi %squeeze3A_262, %and3A_263 : i32
        %mul3A_265 = arith.constant 32 : i32
        %mul3A_266 = arith.muli %and3A_264, %mul3A_265 : i32
        %get3A_267 = arith.index_cast %add3A_254 : i32 to index
        %get3A_268 = arith.index_cast %mul3A_260 : i32 to index
        %get3A_269 = tpu.vector_load %arg11[%get3A_267, %get3A_268] {strides = array<i32>} : memref<256x128xf32, #tpu.memory_space<vmem>>, vector<1x16xf32>,
        %get3A_270 = vector.shape_cast %get3A_269 : vector<1x16xf32> to vector<16xf32>
        %add3A_271 = arith.constant 16 : i32
        %add3A_272 = arith.addi %mul3A_260, %add3A_271 : i32
        %get3A_273 = arith.index_cast %add3A_254 : i32 to index
        %get3A_274 = arith.index_cast %add3A_272 : i32 to index
        %get3A_275 = tpu.vector_load %arg11[%get3A_273, %get3A_274] {strides = array<i32>} : memref<256x128xf32, #tpu.memory_space<vmem>>, vector<1x16xf32>,
        %get3A_276 = vector.shape_cast %get3A_275 : vector<1x16xf32> to vector<16xf32>
        %get3A_277 = arith.index_cast %add3A_254 : i32 to index
        %get3A_278 = arith.index_cast %mul3A_266 : i32 to index
        %get3A_279 = tpu.vector_load %arg12[%get3A_277, %get3A_278] {strides = array<i32>} : memref<256x128xf32, #tpu.memory_space<vmem>>, vector<1x16xf32>,
        %get3A_280 = vector.shape_cast %get3A_279 : vector<1x16xf32> to vector<16xf32>
        %add3A_281 = arith.constant 16 : i32
        %add3A_282 = arith.addi %mul3A_266, %add3A_281 : i32
        %get3A_283 = arith.index_cast %add3A_254 : i32 to index
        %get3A_284 = arith.index_cast %add3A_282 : i32 to index
        %get3A_285 = tpu.vector_load %arg12[%get3A_283, %get3A_284] {strides = array<i32>} : memref<256x128xf32, #tpu.memory_space<vmem>>, vector<1x16xf32>,
        %get3A_286 = vector.shape_cast %get3A_285 : vector<1x16xf32> to vector<16xf32>
        %sub3A_287 = arith.subf %get3A_270, %get3A_280 : vector<16xf32>
        %sub3A_288 = arith.subf %get3A_276, %get3A_286 : vector<16xf32>
        %mul3A_289 = arith.mulf %sub3A_287, %sub3A_287 : vector<16xf32>
        %mul3A_290 = arith.constant 32 : i32
        %mul3A_291 = arith.muli %add3A_254, %mul3A_290 : i32
        %swap3A_292 = arith.index_cast %mul3A_291 : i32 to index
        %swap3A_293 = tpu.vector_load %arg13[%swap3A_292] {strides = array<i32>} : memref<8192xf32, #tpu.memory_space<vmem>>, vector<16xf32>,
        %swap3A_294 = vector.shape_cast %swap3A_293 : vector<16xf32> to vector<16xf32>
        %swap3A_295 = vector.shape_cast %mul3A_289 : vector<16xf32> to vector<16xf32>
        tpu.vector_store %arg13[%swap3A_292], %swap3A_295 {strides = array<i32>} : memref<8192xf32, #tpu.memory_space<vmem>>, vector<16xf32>,
        %mul3A_296 = arith.mulf %sub3A_288, %sub3A_288 : vector<16xf32>
        %mul3A_297 = arith.constant 32 : i32
        %mul3A_298 = arith.muli %add3A_254, %mul3A_297 : i32
        %add3A_299 = arith.constant 16 : i32
        %add3A_300 = arith.addi %mul3A_298, %add3A_299 : i32
        %swap3A_301 = arith.index_cast %add3A_300 : i32 to index
        %swap3A_302 = tpu.vector_load %arg13[%swap3A_301] {strides = array<i32>} : memref<8192xf32, #tpu.memory_space<vmem>>, vector<16xf32>,
        %swap3A_303 = vector.shape_cast %swap3A_302 : vector<16xf32> to vector<16xf32>
        %swap3A_304 = vector.shape_cast %mul3A_296 : vector<16xf32> to vector<16xf32>
        tpu.vector_store %arg13[%swap3A_301], %swap3A_304 {strides = array<i32>} : memref<8192xf32, #tpu.memory_space<vmem>>, vector<16xf32>,
        %add3A_305 = arith.constant 5 : i32
        %add3A_306 = arith.addi %mul3A_44, %add3A_305 : i32
        %slice3A_307 = vector.extract_strided_slice %get3A_46 {offsets = [5], sizes = [1], strides = [1]} : vector<16xi32> to vector<1xi32>
        %squeeze3A_308 = vector.extract %slice3A_307[0] : i32 from vector<1xi32>
        %and3A_309 = arith.constant 3 : i32
        %and3A_310 = arith.andi %squeeze3A_308, %and3A_309 : i32
        %mul3A_311 = arith.constant 32 : i32
        %mul3A_312 = arith.muli %and3A_310, %mul3A_311 : i32
        %slice3A_313 = vector.extract_strided_slice %get3A_49 {offsets = [5], sizes = [1], strides = [1]} : vector<16xi32> to vector<1xi32>
        %squeeze3A_314 = vector.extract %slice3A_313[0] : i32 from vector<1xi32>
        %and3A_315 = arith.constant 3 : i32
        %and3A_316 = arith.andi %squeeze3A_314, %and3A_315 : i32
        %mul3A_317 = arith.constant 32 : i32
        %mul3A_318 = arith.muli %and3A_316, %mul3A_317 : i32
        %get3A_319 = arith.index_cast %add3A_306 : i32 to index
        %get3A_320 = arith.index_cast %mul3A_312 : i32 to index
        %get3A_321 = tpu.vector_load %arg11[%get3A_319, %get3A_320] {strides = array<i32>} : memref<256x128xf32, #tpu.memory_space<vmem>>, vector<1x16xf32>,
        %get3A_322 = vector.shape_cast %get3A_321 : vector<1x16xf32> to vector<16xf32>
        %add3A_323 = arith.constant 16 : i32
        %add3A_324 = arith.addi %mul3A_312, %add3A_323 : i32
        %get3A_325 = arith.index_cast %add3A_306 : i32 to index
        %get3A_326 = arith.index_cast %add3A_324 : i32 to index
        %get3A_327 = tpu.vector_load %arg11[%get3A_325, %get3A_326] {strides = array<i32>} : memref<256x128xf32, #tpu.memory_space<vmem>>, vector<1x16xf32>,
        %get3A_328 = vector.shape_cast %get3A_327 : vector<1x16xf32> to vector<16xf32>
        %get3A_329 = arith.index_cast %add3A_306 : i32 to index
        %get3A_330 = arith.index_cast %mul3A_318 : i32 to index
        %get3A_331 = tpu.vector_load %arg12[%get3A_329, %get3A_330] {strides = array<i32>} : memref<256x128xf32, #tpu.memory_space<vmem>>, vector<1x16xf32>,
        %get3A_332 = vector.shape_cast %get3A_331 : vector<1x16xf32> to vector<16xf32>
        %add3A_333 = arith.constant 16 : i32
        %add3A_334 = arith.addi %mul3A_318, %add3A_333 : i32
        %get3A_335 = arith.index_cast %add3A_306 : i32 to index
        %get3A_336 = arith.index_cast %add3A_334 : i32 to index
        %get3A_337 = tpu.vector_load %arg12[%get3A_335, %get3A_336] {strides = array<i32>} : memref<256x128xf32, #tpu.memory_space<vmem>>, vector<1x16xf32>,
        %get3A_338 = vector.shape_cast %get3A_337 : vector<1x16xf32> to vector<16xf32>
        %sub3A_339 = arith.subf %get3A_322, %get3A_332 : vector<16xf32>
        %sub3A_340 = arith.subf %get3A_328, %get3A_338 : vector<16xf32>
        %mul3A_341 = arith.mulf %sub3A_339, %sub3A_339 : vector<16xf32>
        %mul3A_342 = arith.constant 32 : i32
        %mul3A_343 = arith.muli %add3A_306, %mul3A_342 : i32
        %swap3A_344 = arith.index_cast %mul3A_343 : i32 to index
        %swap3A_345 = tpu.vector_load %arg13[%swap3A_344] {strides = array<i32>} : memref<8192xf32, #tpu.memory_space<vmem>>, vector<16xf32>,
        %swap3A_346 = vector.shape_cast %swap3A_345 : vector<16xf32> to vector<16xf32>
        %swap3A_347 = vector.shape_cast %mul3A_341 : vector<16xf32> to vector<16xf32>
        tpu.vector_store %arg13[%swap3A_344], %swap3A_347 {strides = array<i32>} : memref<8192xf32, #tpu.memory_space<vmem>>, vector<16xf32>,
        %mul3A_348 = arith.mulf %sub3A_340, %sub3A_340 : vector<16xf32>
        %mul3A_349 = arith.constant 32 : i32
        %mul3A_350 = arith.muli %add3A_306, %mul3A_349 : i32
        %add3A_351 = arith.constant 16 : i32
        %add3A_352 = arith.addi %mul3A_350, %add3A_351 : i32
        %swap3A_353 = arith.index_cast %add3A_352 : i32 to index
        %swap3A_354 = tpu.vector_load %arg13[%swap3A_353] {strides = array<i32>} : memref<8192xf32, #tpu.memory_space<vmem>>, vector<16xf32>,
        %swap3A_355 = vector.shape_cast %swap3A_354 : vector<16xf32> to vector<16xf32>
        %swap3A_356 = vector.shape_cast %mul3A_348 : vector<16xf32> to vector<16xf32>
        tpu.vector_store %arg13[%swap3A_353], %swap3A_356 {strides = array<i32>} : memref<8192xf32, #tpu.memory_space<vmem>>, vector<16xf32>,
        %add3A_357 = arith.constant 6 : i32
        %add3A_358 = arith.addi %mul3A_44, %add3A_357 : i32
        %slice3A_359 = vector.extract_strided_slice %get3A_46 {offsets = [6], sizes = [1], strides = [1]} : vector<16xi32> to vector<1xi32>
        %squeeze3A_360 = vector.extract %slice3A_359[0] : i32 from vector<1xi32>
        %and3A_361 = arith.constant 3 : i32
        %and3A_362 = arith.andi %squeeze3A_360, %and3A_361 : i32
        %mul3A_363 = arith.constant 32 : i32
        %mul3A_364 = arith.muli %and3A_362, %mul3A_363 : i32
        %slice3A_365 = vector.extract_strided_slice %get3A_49 {offsets = [6], sizes = [1], strides = [1]} : vector<16xi32> to vector<1xi32>
        %squeeze3A_366 = vector.extract %slice3A_365[0] : i32 from vector<1xi32>
        %and3A_367 = arith.constant 3 : i32
        %and3A_368 = arith.andi %squeeze3A_366, %and3A_367 : i32
        %mul3A_369 = arith.constant 32 : i32
        %mul3A_370 = arith.muli %and3A_368, %mul3A_369 : i32
        %get3A_371 = arith.index_cast %add3A_358 : i32 to index
        %get3A_372 = arith.index_cast %mul3A_364 : i32 to index
        %get3A_373 = tpu.vector_load %arg11[%get3A_371, %get3A_372] {strides = array<i32>} : memref<256x128xf32, #tpu.memory_space<vmem>>, vector<1x16xf32>,
        %get3A_374 = vector.shape_cast %get3A_373 : vector<1x16xf32> to vector<16xf32>
        %add3A_375 = arith.constant 16 : i32
        %add3A_376 = arith.addi %mul3A_364, %add3A_375 : i32
        %get3A_377 = arith.index_cast %add3A_358 : i32 to index
        %get3A_378 = arith.index_cast %add3A_376 : i32 to index
        %get3A_379 = tpu.vector_load %arg11[%get3A_377, %get3A_378] {strides = array<i32>} : memref<256x128xf32, #tpu.memory_space<vmem>>, vector<1x16xf32>,
        %get3A_380 = vector.shape_cast %get3A_379 : vector<1x16xf32> to vector<16xf32>
        %get3A_381 = arith.index_cast %add3A_358 : i32 to index
        %get3A_382 = arith.index_cast %mul3A_370 : i32 to index
        %get3A_383 = tpu.vector_load %arg12[%get3A_381, %get3A_382] {strides = array<i32>} : memref<256x128xf32, #tpu.memory_space<vmem>>, vector<1x16xf32>,
        %get3A_384 = vector.shape_cast %get3A_383 : vector<1x16xf32> to vector<16xf32>
        %add3A_385 = arith.constant 16 : i32
        %add3A_386 = arith.addi %mul3A_370, %add3A_385 : i32
        %get3A_387 = arith.index_cast %add3A_358 : i32 to index
        %get3A_388 = arith.index_cast %add3A_386 : i32 to index
        %get3A_389 = tpu.vector_load %arg12[%get3A_387, %get3A_388] {strides = array<i32>} : memref<256x128xf32, #tpu.memory_space<vmem>>, vector<1x16xf32>,
        %get3A_390 = vector.shape_cast %get3A_389 : vector<1x16xf32> to vector<16xf32>
        %sub3A_391 = arith.subf %get3A_374, %get3A_384 : vector<16xf32>
        %sub3A_392 = arith.subf %get3A_380, %get3A_390 : vector<16xf32>
        %mul3A_393 = arith.mulf %sub3A_391, %sub3A_391 : vector<16xf32>
        %mul3A_394 = arith.constant 32 : i32
        %mul3A_395 = arith.muli %add3A_358, %mul3A_394 : i32
        %swap3A_396 = arith.index_cast %mul3A_395 : i32 to index
        %swap3A_397 = tpu.vector_load %arg13[%swap3A_396] {strides = array<i32>} : memref<8192xf32, #tpu.memory_space<vmem>>, vector<16xf32>,
        %swap3A_398 = vector.shape_cast %swap3A_397 : vector<16xf32> to vector<16xf32>
        %swap3A_399 = vector.shape_cast %mul3A_393 : vector<16xf32> to vector<16xf32>
        tpu.vector_store %arg13[%swap3A_396], %swap3A_399 {strides = array<i32>} : memref<8192xf32, #tpu.memory_space<vmem>>, vector<16xf32>,
        %mul3A_400 = arith.mulf %sub3A_392, %sub3A_392 : vector<16xf32>
        %mul3A_401 = arith.constant 32 : i32
        %mul3A_402 = arith.muli %add3A_358, %mul3A_401 : i32
        %add3A_403 = arith.constant 16 : i32
        %add3A_404 = arith.addi %mul3A_402, %add3A_403 : i32
        %swap3A_405 = arith.index_cast %add3A_404 : i32 to index
        %swap3A_406 = tpu.vector_load %arg13[%swap3A_405] {strides = array<i32>} : memref<8192xf32, #tpu.memory_space<vmem>>, vector<16xf32>,
        %swap3A_407 = vector.shape_cast %swap3A_406 : vector<16xf32> to vector<16xf32>
        %swap3A_408 = vector.shape_cast %mul3A_400 : vector<16xf32> to vector<16xf32>
        tpu.vector_store %arg13[%swap3A_405], %swap3A_408 {strides = array<i32>} : memref<8192xf32, #tpu.memory_space<vmem>>, vector<16xf32>,
        %add3A_409 = arith.constant 7 : i32
        %add3A_410 = arith.addi %mul3A_44, %add3A_409 : i32
        %slice3A_411 = vector.extract_strided_slice %get3A_46 {offsets = [7], sizes = [1], strides = [1]} : vector<16xi32> to vector<1xi32>
        %squeeze3A_412 = vector.extract %slice3A_411[0] : i32 from vector<1xi32>
        %and3A_413 = arith.constant 3 : i32
        %and3A_414 = arith.andi %squeeze3A_412, %and3A_413 : i32
        %mul3A_415 = arith.constant 32 : i32
        %mul3A_416 = arith.muli %and3A_414, %mul3A_415 : i32
        %slice3A_417 = vector.extract_strided_slice %get3A_49 {offsets = [7], sizes = [1], strides = [1]} : vector<16xi32> to vector<1xi32>
        %squeeze3A_418 = vector.extract %slice3A_417[0] : i32 from vector<1xi32>
        %and3A_419 = arith.constant 3 : i32
        %and3A_420 = arith.andi %squeeze3A_418, %and3A_419 : i32
        %mul3A_421 = arith.constant 32 : i32
        %mul3A_422 = arith.muli %and3A_420, %mul3A_421 : i32
        %get3A_423 = arith.index_cast %add3A_410 : i32 to index
        %get3A_424 = arith.index_cast %mul3A_416 : i32 to index
        %get3A_425 = tpu.vector_load %arg11[%get3A_423, %get3A_424] {strides = array<i32>} : memref<256x128xf32, #tpu.memory_space<vmem>>, vector<1x16xf32>,
        %get3A_426 = vector.shape_cast %get3A_425 : vector<1x16xf32> to vector<16xf32>
        %add3A_427 = arith.constant 16 : i32
        %add3A_428 = arith.addi %mul3A_416, %add3A_427 : i32
        %get3A_429 = arith.index_cast %add3A_410 : i32 to index
        %get3A_430 = arith.index_cast %add3A_428 : i32 to index
        %get3A_431 = tpu.vector_load %arg11[%get3A_429, %get3A_430] {strides = array<i32>} : memref<256x128xf32, #tpu.memory_space<vmem>>, vector<1x16xf32>,
        %get3A_432 = vector.shape_cast %get3A_431 : vector<1x16xf32> to vector<16xf32>
        %get3A_433 = arith.index_cast %add3A_410 : i32 to index
        %get3A_434 = arith.index_cast %mul3A_422 : i32 to index
        %get3A_435 = tpu.vector_load %arg12[%get3A_433, %get3A_434] {strides = array<i32>} : memref<256x128xf32, #tpu.memory_space<vmem>>, vector<1x16xf32>,
        %get3A_436 = vector.shape_cast %get3A_435 : vector<1x16xf32> to vector<16xf32>
        %add3A_437 = arith.constant 16 : i32
        %add3A_438 = arith.addi %mul3A_422, %add3A_437 : i32
        %get3A_439 = arith.index_cast %add3A_410 : i32 to index
        %get3A_440 = arith.index_cast %add3A_438 : i32 to index
        %get3A_441 = tpu.vector_load %arg12[%get3A_439, %get3A_440] {strides = array<i32>} : memref<256x128xf32, #tpu.memory_space<vmem>>, vector<1x16xf32>,
        %get3A_442 = vector.shape_cast %get3A_441 : vector<1x16xf32> to vector<16xf32>
        %sub3A_443 = arith.subf %get3A_426, %get3A_436 : vector<16xf32>
        %sub3A_444 = arith.subf %get3A_432, %get3A_442 : vector<16xf32>
        %mul3A_445 = arith.mulf %sub3A_443, %sub3A_443 : vector<16xf32>
        %mul3A_446 = arith.constant 32 : i32
        %mul3A_447 = arith.muli %add3A_410, %mul3A_446 : i32
        %swap3A_448 = arith.index_cast %mul3A_447 : i32 to index
        %swap3A_449 = tpu.vector_load %arg13[%swap3A_448] {strides = array<i32>} : memref<8192xf32, #tpu.memory_space<vmem>>, vector<16xf32>,
        %swap3A_450 = vector.shape_cast %swap3A_449 : vector<16xf32> to vector<16xf32>
        %swap3A_451 = vector.shape_cast %mul3A_445 : vector<16xf32> to vector<16xf32>
        tpu.vector_store %arg13[%swap3A_448], %swap3A_451 {strides = array<i32>} : memref<8192xf32, #tpu.memory_space<vmem>>, vector<16xf32>,
        %mul3A_452 = arith.mulf %sub3A_444, %sub3A_444 : vector<16xf32>
        %mul3A_453 = arith.constant 32 : i32
        %mul3A_454 = arith.muli %add3A_410, %mul3A_453 : i32
        %add3A_455 = arith.constant 16 : i32
        %add3A_456 = arith.addi %mul3A_454, %add3A_455 : i32
        %swap3A_457 = arith.index_cast %add3A_456 : i32 to index
        %swap3A_458 = tpu.vector_load %arg13[%swap3A_457] {strides = array<i32>} : memref<8192xf32, #tpu.memory_space<vmem>>, vector<16xf32>,
        %swap3A_459 = vector.shape_cast %swap3A_458 : vector<16xf32> to vector<16xf32>
        %swap3A_460 = vector.shape_cast %mul3A_452 : vector<16xf32> to vector<16xf32>
        tpu.vector_store %arg13[%swap3A_457], %swap3A_460 {strides = array<i32>} : memref<8192xf32, #tpu.memory_space<vmem>>, vector<16xf32>,
        %add3A_461 = arith.constant 8 : i32
        %add3A_462 = arith.addi %mul3A_44, %add3A_461 : i32
        %slice3A_463 = vector.extract_strided_slice %get3A_46 {offsets = [8], sizes = [1], strides = [1]} : vector<16xi32> to vector<1xi32>
        %squeeze3A_464 = vector.extract %slice3A_463[0] : i32 from vector<1xi32>
        %and3A_465 = arith.constant 3 : i32
        %and3A_466 = arith.andi %squeeze3A_464, %and3A_465 : i32
        %mul3A_467 = arith.constant 32 : i32
        %mul3A_468 = arith.muli %and3A_466, %mul3A_467 : i32
        %slice3A_469 = vector.extract_strided_slice %get3A_49 {offsets = [8], sizes = [1], strides = [1]} : vector<16xi32> to vector<1xi32>
        %squeeze3A_470 = vector.extract %slice3A_469[0] : i32 from vector<1xi32>
        %and3A_471 = arith.constant 3 : i32
        %and3A_472 = arith.andi %squeeze3A_470, %and3A_471 : i32
        %mul3A_473 = arith.constant 32 : i32
        %mul3A_474 = arith.muli %and3A_472, %mul3A_473 : i32
        %get3A_475 = arith.index_cast %add3A_462 : i32 to index
        %get3A_476 = arith.index_cast %mul3A_468 : i32 to index
        %get3A_477 = tpu.vector_load %arg11[%get3A_475, %get3A_476] {strides = array<i32>} : memref<256x128xf32, #tpu.memory_space<vmem>>, vector<1x16xf32>,
        %get3A_478 = vector.shape_cast %get3A_477 : vector<1x16xf32> to vector<16xf32>
        %add3A_479 = arith.constant 16 : i32
        %add3A_480 = arith.addi %mul3A_468, %add3A_479 : i32
        %get3A_481 = arith.index_cast %add3A_462 : i32 to index
        %get3A_482 = arith.index_cast %add3A_480 : i32 to index
        %get3A_483 = tpu.vector_load %arg11[%get3A_481, %get3A_482] {strides = array<i32>} : memref<256x128xf32, #tpu.memory_space<vmem>>, vector<1x16xf32>,
        %get3A_484 = vector.shape_cast %get3A_483 : vector<1x16xf32> to vector<16xf32>
        %get3A_485 = arith.index_cast %add3A_462 : i32 to index
        %get3A_486 = arith.index_cast %mul3A_474 : i32 to index
        %get3A_487 = tpu.vector_load %arg12[%get3A_485, %get3A_486] {strides = array<i32>} : memref<256x128xf32, #tpu.memory_space<vmem>>, vector<1x16xf32>,
        %get3A_488 = vector.shape_cast %get3A_487 : vector<1x16xf32> to vector<16xf32>
        %add3A_489 = arith.constant 16 : i32
        %add3A_490 = arith.addi %mul3A_474, %add3A_489 : i32
        %get3A_491 = arith.index_cast %add3A_462 : i32 to index
        %get3A_492 = arith.index_cast %add3A_490 : i32 to index
        %get3A_493 = tpu.vector_load %arg12[%get3A_491, %get3A_492] {strides = array<i32>} : memref<256x128xf32, #tpu.memory_space<vmem>>, vector<1x16xf32>,
        %get3A_494 = vector.shape_cast %get3A_493 : vector<1x16xf32> to vector<16xf32>
        %sub3A_495 = arith.subf %get3A_478, %get3A_488 : vector<16xf32>
        %sub3A_496 = arith.subf %get3A_484, %get3A_494 : vector<16xf32>
        %mul3A_497 = arith.mulf %sub3A_495, %sub3A_495 : vector<16xf32>
        %mul3A_498 = arith.constant 32 : i32
        %mul3A_499 = arith.muli %add3A_462, %mul3A_498 : i32
        %swap3A_500 = arith.index_cast %mul3A_499 : i32 to index
        %swap3A_501 = tpu.vector_load %arg13[%swap3A_500] {strides = array<i32>} : memref<8192xf32, #tpu.memory_space<vmem>>, vector<16xf32>,
        %swap3A_502 = vector.shape_cast %swap3A_501 : vector<16xf32> to vector<16xf32>
        %swap3A_503 = vector.shape_cast %mul3A_497 : vector<16xf32> to vector<16xf32>
        tpu.vector_store %arg13[%swap3A_500], %swap3A_503 {strides = array<i32>} : memref<8192xf32, #tpu.memory_space<vmem>>, vector<16xf32>,
        %mul3A_504 = arith.mulf %sub3A_496, %sub3A_496 : vector<16xf32>
        %mul3A_505 = arith.constant 32 : i32
        %mul3A_506 = arith.muli %add3A_462, %mul3A_505 : i32
        %add3A_507 = arith.constant 16 : i32
        %add3A_508 = arith.addi %mul3A_506, %add3A_507 : i32
        %swap3A_509 = arith.index_cast %add3A_508 : i32 to index
        %swap3A_510 = tpu.vector_load %arg13[%swap3A_509] {strides = array<i32>} : memref<8192xf32, #tpu.memory_space<vmem>>, vector<16xf32>,
        %swap3A_511 = vector.shape_cast %swap3A_510 : vector<16xf32> to vector<16xf32>
        %swap3A_512 = vector.shape_cast %mul3A_504 : vector<16xf32> to vector<16xf32>
        tpu.vector_store %arg13[%swap3A_509], %swap3A_512 {strides = array<i32>} : memref<8192xf32, #tpu.memory_space<vmem>>, vector<16xf32>,
        %add3A_513 = arith.constant 9 : i32
        %add3A_514 = arith.addi %mul3A_44, %add3A_513 : i32
        %slice3A_515 = vector.extract_strided_slice %get3A_46 {offsets = [9], sizes = [1], strides = [1]} : vector<16xi32> to vector<1xi32>
        %squeeze3A_516 = vector.extract %slice3A_515[0] : i32 from vector<1xi32>
        %and3A_517 = arith.constant 3 : i32
        %and3A_518 = arith.andi %squeeze3A_516, %and3A_517 : i32
        %mul3A_519 = arith.constant 32 : i32
        %mul3A_520 = arith.muli %and3A_518, %mul3A_519 : i32
        %slice3A_521 = vector.extract_strided_slice %get3A_49 {offsets = [9], sizes = [1], strides = [1]} : vector<16xi32> to vector<1xi32>
        %squeeze3A_522 = vector.extract %slice3A_521[0] : i32 from vector<1xi32>
        %and3A_523 = arith.constant 3 : i32
        %and3A_524 = arith.andi %squeeze3A_522, %and3A_523 : i32
        %mul3A_525 = arith.constant 32 : i32
        %mul3A_526 = arith.muli %and3A_524, %mul3A_525 : i32
        %get3A_527 = arith.index_cast %add3A_514 : i32 to index
        %get3A_528 = arith.index_cast %mul3A_520 : i32 to index
        %get3A_529 = tpu.vector_load %arg11[%get3A_527, %get3A_528] {strides = array<i32>} : memref<256x128xf32, #tpu.memory_space<vmem>>, vector<1x16xf32>,
        %get3A_530 = vector.shape_cast %get3A_529 : vector<1x16xf32> to vector<16xf32>
        %add3A_531 = arith.constant 16 : i32
        %add3A_532 = arith.addi %mul3A_520, %add3A_531 : i32
        %get3A_533 = arith.index_cast %add3A_514 : i32 to index
        %get3A_534 = arith.index_cast %add3A_532 : i32 to index
        %get3A_535 = tpu.vector_load %arg11[%get3A_533, %get3A_534] {strides = array<i32>} : memref<256x128xf32, #tpu.memory_space<vmem>>, vector<1x16xf32>,
        %get3A_536 = vector.shape_cast %get3A_535 : vector<1x16xf32> to vector<16xf32>
        %get3A_537 = arith.index_cast %add3A_514 : i32 to index
        %get3A_538 = arith.index_cast %mul3A_526 : i32 to index
        %get3A_539 = tpu.vector_load %arg12[%get3A_537, %get3A_538] {strides = array<i32>} : memref<256x128xf32, #tpu.memory_space<vmem>>, vector<1x16xf32>,
        %get3A_540 = vector.shape_cast %get3A_539 : vector<1x16xf32> to vector<16xf32>
        %add3A_541 = arith.constant 16 : i32
        %add3A_542 = arith.addi %mul3A_526, %add3A_541 : i32
        %get3A_543 = arith.index_cast %add3A_514 : i32 to index
        %get3A_544 = arith.index_cast %add3A_542 : i32 to index
        %get3A_545 = tpu.vector_load %arg12[%get3A_543, %get3A_544] {strides = array<i32>} : memref<256x128xf32, #tpu.memory_space<vmem>>, vector<1x16xf32>,
        %get3A_546 = vector.shape_cast %get3A_545 : vector<1x16xf32> to vector<16xf32>
        %sub3A_547 = arith.subf %get3A_530, %get3A_540 : vector<16xf32>
        %sub3A_548 = arith.subf %get3A_536, %get3A_546 : vector<16xf32>
        %mul3A_549 = arith.mulf %sub3A_547, %sub3A_547 : vector<16xf32>
        %mul3A_550 = arith.constant 32 : i32
        %mul3A_551 = arith.muli %add3A_514, %mul3A_550 : i32
        %swap3A_552 = arith.index_cast %mul3A_551 : i32 to index
        %swap3A_553 = tpu.vector_load %arg13[%swap3A_552] {strides = array<i32>} : memref<8192xf32, #tpu.memory_space<vmem>>, vector<16xf32>,
        %swap3A_554 = vector.shape_cast %swap3A_553 : vector<16xf32> to vector<16xf32>
        %swap3A_555 = vector.shape_cast %mul3A_549 : vector<16xf32> to vector<16xf32>
        tpu.vector_store %arg13[%swap3A_552], %swap3A_555 {strides = array<i32>} : memref<8192xf32, #tpu.memory_space<vmem>>, vector<16xf32>,
        %mul3A_556 = arith.mulf %sub3A_548, %sub3A_548 : vector<16xf32>
        %mul3A_557 = arith.constant 32 : i32
        %mul3A_558 = arith.muli %add3A_514, %mul3A_557 : i32
        %add3A_559 = arith.constant 16 : i32
        %add3A_560 = arith.addi %mul3A_558, %add3A_559 : i32
        %swap3A_561 = arith.index_cast %add3A_560 : i32 to index
        %swap3A_562 = tpu.vector_load %arg13[%swap3A_561] {strides = array<i32>} : memref<8192xf32, #tpu.memory_space<vmem>>, vector<16xf32>,
        %swap3A_563 = vector.shape_cast %swap3A_562 : vector<16xf32> to vector<16xf32>
        %swap3A_564 = vector.shape_cast %mul3A_556 : vector<16xf32> to vector<16xf32>
        tpu.vector_store %arg13[%swap3A_561], %swap3A_564 {strides = array<i32>} : memref<8192xf32, #tpu.memory_space<vmem>>, vector<16xf32>,
        %add3A_565 = arith.constant 10 : i32
        %add3A_566 = arith.addi %mul3A_44, %add3A_565 : i32
        %slice3A_567 = vector.extract_strided_slice %get3A_46 {offsets = [10], sizes = [1], strides = [1]} : vector<16xi32> to vector<1xi32>
        %squeeze3A_568 = vector.extract %slice3A_567[0] : i32 from vector<1xi32>
        %and3A_569 = arith.constant 3 : i32
        %and3A_570 = arith.andi %squeeze3A_568, %and3A_569 : i32
        %mul3A_571 = arith.constant 32 : i32
        %mul3A_572 = arith.muli %and3A_570, %mul3A_571 : i32
        %slice3A_573 = vector.extract_strided_slice %get3A_49 {offsets = [10], sizes = [1], strides = [1]} : vector<16xi32> to vector<1xi32>
        %squeeze3A_574 = vector.extract %slice3A_573[0] : i32 from vector<1xi32>
        %and3A_575 = arith.constant 3 : i32
        %and3A_576 = arith.andi %squeeze3A_574, %and3A_575 : i32
        %mul3A_577 = arith.constant 32 : i32
        %mul3A_578 = arith.muli %and3A_576, %mul3A_577 : i32
        %get3A_579 = arith.index_cast %add3A_566 : i32 to index
        %get3A_580 = arith.index_cast %mul3A_572 : i32 to index
        %get3A_581 = tpu.vector_load %arg11[%get3A_579, %get3A_580] {strides = array<i32>} : memref<256x128xf32, #tpu.memory_space<vmem>>, vector<1x16xf32>,
        %get3A_582 = vector.shape_cast %get3A_581 : vector<1x16xf32> to vector<16xf32>
        %add3A_583 = arith.constant 16 : i32
        %add3A_584 = arith.addi %mul3A_572, %add3A_583 : i32
        %get3A_585 = arith.index_cast %add3A_566 : i32 to index
        %get3A_586 = arith.index_cast %add3A_584 : i32 to index
        %get3A_587 = tpu.vector_load %arg11[%get3A_585, %get3A_586] {strides = array<i32>} : memref<256x128xf32, #tpu.memory_space<vmem>>, vector<1x16xf32>,
        %get3A_588 = vector.shape_cast %get3A_587 : vector<1x16xf32> to vector<16xf32>
        %get3A_589 = arith.index_cast %add3A_566 : i32 to index
        %get3A_590 = arith.index_cast %mul3A_578 : i32 to index
        %get3A_591 = tpu.vector_load %arg12[%get3A_589, %get3A_590] {strides = array<i32>} : memref<256x128xf32, #tpu.memory_space<vmem>>, vector<1x16xf32>,
        %get3A_592 = vector.shape_cast %get3A_591 : vector<1x16xf32> to vector<16xf32>
        %add3A_593 = arith.constant 16 : i32
        %add3A_594 = arith.addi %mul3A_578, %add3A_593 : i32
        %get3A_595 = arith.index_cast %add3A_566 : i32 to index
        %get3A_596 = arith.index_cast %add3A_594 : i32 to index
        %get3A_597 = tpu.vector_load %arg12[%get3A_595, %get3A_596] {strides = array<i32>} : memref<256x128xf32, #tpu.memory_space<vmem>>, vector<1x16xf32>,
        %get3A_598 = vector.shape_cast %get3A_597 : vector<1x16xf32> to vector<16xf32>
        %sub3A_599 = arith.subf %get3A_582, %get3A_592 : vector<16xf32>
        %sub3A_600 = arith.subf %get3A_588, %get3A_598 : vector<16xf32>
        %mul3A_601 = arith.mulf %sub3A_599, %sub3A_599 : vector<16xf32>
        %mul3A_602 = arith.constant 32 : i32
        %mul3A_603 = arith.muli %add3A_566, %mul3A_602 : i32
        %swap3A_604 = arith.index_cast %mul3A_603 : i32 to index
        %swap3A_605 = tpu.vector_load %arg13[%swap3A_604] {strides = array<i32>} : memref<8192xf32, #tpu.memory_space<vmem>>, vector<16xf32>,
        %swap3A_606 = vector.shape_cast %swap3A_605 : vector<16xf32> to vector<16xf32>
        %swap3A_607 = vector.shape_cast %mul3A_601 : vector<16xf32> to vector<16xf32>
        tpu.vector_store %arg13[%swap3A_604], %swap3A_607 {strides = array<i32>} : memref<8192xf32, #tpu.memory_space<vmem>>, vector<16xf32>,
        %mul3A_608 = arith.mulf %sub3A_600, %sub3A_600 : vector<16xf32>
        %mul3A_609 = arith.constant 32 : i32
        %mul3A_610 = arith.muli %add3A_566, %mul3A_609 : i32
        %add3A_611 = arith.constant 16 : i32
        %add3A_612 = arith.addi %mul3A_610, %add3A_611 : i32
        %swap3A_613 = arith.index_cast %add3A_612 : i32 to index
        %swap3A_614 = tpu.vector_load %arg13[%swap3A_613] {strides = array<i32>} : memref<8192xf32, #tpu.memory_space<vmem>>, vector<16xf32>,
        %swap3A_615 = vector.shape_cast %swap3A_614 : vector<16xf32> to vector<16xf32>
        %swap3A_616 = vector.shape_cast %mul3A_608 : vector<16xf32> to vector<16xf32>
        tpu.vector_store %arg13[%swap3A_613], %swap3A_616 {strides = array<i32>} : memref<8192xf32, #tpu.memory_space<vmem>>, vector<16xf32>,
        %add3A_617 = arith.constant 11 : i32
        %add3A_618 = arith.addi %mul3A_44, %add3A_617 : i32
        %slice3A_619 = vector.extract_strided_slice %get3A_46 {offsets = [11], sizes = [1], strides = [1]} : vector<16xi32> to vector<1xi32>
        %squeeze3A_620 = vector.extract %slice3A_619[0] : i32 from vector<1xi32>
        %and3A_621 = arith.constant 3 : i32
        %and3A_622 = arith.andi %squeeze3A_620, %and3A_621 : i32
        %mul3A_623 = arith.constant 32 : i32
        %mul3A_624 = arith.muli %and3A_622, %mul3A_623 : i32
        %slice3A_625 = vector.extract_strided_slice %get3A_49 {offsets = [11], sizes = [1], strides = [1]} : vector<16xi32> to vector<1xi32>
        %squeeze3A_626 = vector.extract %slice3A_625[0] : i32 from vector<1xi32>
        %and3A_627 = arith.constant 3 : i32
        %and3A_628 = arith.andi %squeeze3A_626, %and3A_627 : i32
        %mul3A_629 = arith.constant 32 : i32
        %mul3A_630 = arith.muli %and3A_628, %mul3A_629 : i32
        %get3A_631 = arith.index_cast %add3A_618 : i32 to index
        %get3A_632 = arith.index_cast %mul3A_624 : i32 to index
        %get3A_633 = tpu.vector_load %arg11[%get3A_631, %get3A_632] {strides = array<i32>} : memref<256x128xf32, #tpu.memory_space<vmem>>, vector<1x16xf32>,
        %get3A_634 = vector.shape_cast %get3A_633 : vector<1x16xf32> to vector<16xf32>
        %add3A_635 = arith.constant 16 : i32
        %add3A_636 = arith.addi %mul3A_624, %add3A_635 : i32
        %get3A_637 = arith.index_cast %add3A_618 : i32 to index
        %get3A_638 = arith.index_cast %add3A_636 : i32 to index
        %get3A_639 = tpu.vector_load %arg11[%get3A_637, %get3A_638] {strides = array<i32>} : memref<256x128xf32, #tpu.memory_space<vmem>>, vector<1x16xf32>,
        %get3A_640 = vector.shape_cast %get3A_639 : vector<1x16xf32> to vector<16xf32>
        %get3A_641 = arith.index_cast %add3A_618 : i32 to index
        %get3A_642 = arith.index_cast %mul3A_630 : i32 to index
        %get3A_643 = tpu.vector_load %arg12[%get3A_641, %get3A_642] {strides = array<i32>} : memref<256x128xf32, #tpu.memory_space<vmem>>, vector<1x16xf32>,
        %get3A_644 = vector.shape_cast %get3A_643 : vector<1x16xf32> to vector<16xf32>
        %add3A_645 = arith.constant 16 : i32
        %add3A_646 = arith.addi %mul3A_630, %add3A_645 : i32
        %get3A_647 = arith.index_cast %add3A_618 : i32 to index
        %get3A_648 = arith.index_cast %add3A_646 : i32 to index
        %get3A_649 = tpu.vector_load %arg12[%get3A_647, %get3A_648] {strides = array<i32>} : memref<256x128xf32, #tpu.memory_space<vmem>>, vector<1x16xf32>,
        %get3A_650 = vector.shape_cast %get3A_649 : vector<1x16xf32> to vector<16xf32>
        %sub3A_651 = arith.subf %get3A_634, %get3A_644 : vector<16xf32>
        %sub3A_652 = arith.subf %get3A_640, %get3A_650 : vector<16xf32>
        %mul3A_653 = arith.mulf %sub3A_651, %sub3A_651 : vector<16xf32>
        %mul3A_654 = arith.constant 32 : i32
        %mul3A_655 = arith.muli %add3A_618, %mul3A_654 : i32
        %swap3A_656 = arith.index_cast %mul3A_655 : i32 to index
        %swap3A_657 = tpu.vector_load %arg13[%swap3A_656] {strides = array<i32>} : memref<8192xf32, #tpu.memory_space<vmem>>, vector<16xf32>,
        %swap3A_658 = vector.shape_cast %swap3A_657 : vector<16xf32> to vector<16xf32>
        %swap3A_659 = vector.shape_cast %mul3A_653 : vector<16xf32> to vector<16xf32>
        tpu.vector_store %arg13[%swap3A_656], %swap3A_659 {strides = array<i32>} : memref<8192xf32, #tpu.memory_space<vmem>>, vector<16xf32>,
        %mul3A_660 = arith.mulf %sub3A_652, %sub3A_652 : vector<16xf32>
        %mul3A_661 = arith.constant 32 : i32
        %mul3A_662 = arith.muli %add3A_618, %mul3A_661 : i32
        %add3A_663 = arith.constant 16 : i32
        %add3A_664 = arith.addi %mul3A_662, %add3A_663 : i32
        %swap3A_665 = arith.index_cast %add3A_664 : i32 to index
        %swap3A_666 = tpu.vector_load %arg13[%swap3A_665] {strides = array<i32>} : memref<8192xf32, #tpu.memory_space<vmem>>, vector<16xf32>,
        %swap3A_667 = vector.shape_cast %swap3A_666 : vector<16xf32> to vector<16xf32>
        %swap3A_668 = vector.shape_cast %mul3A_660 : vector<16xf32> to vector<16xf32>
        tpu.vector_store %arg13[%swap3A_665], %swap3A_668 {strides = array<i32>} : memref<8192xf32, #tpu.memory_space<vmem>>, vector<16xf32>,
        %add3A_669 = arith.constant 12 : i32
        %add3A_670 = arith.addi %mul3A_44, %add3A_669 : i32
        %slice3A_671 = vector.extract_strided_slice %get3A_46 {offsets = [12], sizes = [1], strides = [1]} : vector<16xi32> to vector<1xi32>
        %squeeze3A_672 = vector.extract %slice3A_671[0] : i32 from vector<1xi32>
        %and3A_673 = arith.constant 3 : i32
        %and3A_674 = arith.andi %squeeze3A_672, %and3A_673 : i32
        %mul3A_675 = arith.constant 32 : i32
        %mul3A_676 = arith.muli %and3A_674, %mul3A_675 : i32
        %slice3A_677 = vector.extract_strided_slice %get3A_49 {offsets = [12], sizes = [1], strides = [1]} : vector<16xi32> to vector<1xi32>
        %squeeze3A_678 = vector.extract %slice3A_677[0] : i32 from vector<1xi32>
        %and3A_679 = arith.constant 3 : i32
        %and3A_680 = arith.andi %squeeze3A_678, %and3A_679 : i32
        %mul3A_681 = arith.constant 32 : i32
        %mul3A_682 = arith.muli %and3A_680, %mul3A_681 : i32
        %get3A_683 = arith.index_cast %add3A_670 : i32 to index
        %get3A_684 = arith.index_cast %mul3A_676 : i32 to index
        %get3A_685 = tpu.vector_load %arg11[%get3A_683, %get3A_684] {strides = array<i32>} : memref<256x128xf32, #tpu.memory_space<vmem>>, vector<1x16xf32>,
        %get3A_686 = vector.shape_cast %get3A_685 : vector<1x16xf32> to vector<16xf32>
        %add3A_687 = arith.constant 16 : i32
        %add3A_688 = arith.addi %mul3A_676, %add3A_687 : i32
        %get3A_689 = arith.index_cast %add3A_670 : i32 to index
        %get3A_690 = arith.index_cast %add3A_688 : i32 to index
        %get3A_691 = tpu.vector_load %arg11[%get3A_689, %get3A_690] {strides = array<i32>} : memref<256x128xf32, #tpu.memory_space<vmem>>, vector<1x16xf32>,
        %get3A_692 = vector.shape_cast %get3A_691 : vector<1x16xf32> to vector<16xf32>
        %get3A_693 = arith.index_cast %add3A_670 : i32 to index
        %get3A_694 = arith.index_cast %mul3A_682 : i32 to index
        %get3A_695 = tpu.vector_load %arg12[%get3A_693, %get3A_694] {strides = array<i32>} : memref<256x128xf32, #tpu.memory_space<vmem>>, vector<1x16xf32>,
        %get3A_696 = vector.shape_cast %get3A_695 : vector<1x16xf32> to vector<16xf32>
        %add3A_697 = arith.constant 16 : i32
        %add3A_698 = arith.addi %mul3A_682, %add3A_697 : i32
        %get3A_699 = arith.index_cast %add3A_670 : i32 to index
        %get3A_700 = arith.index_cast %add3A_698 : i32 to index
        %get3A_701 = tpu.vector_load %arg12[%get3A_699, %get3A_700] {strides = array<i32>} : memref<256x128xf32, #tpu.memory_space<vmem>>, vector<1x16xf32>,
        %get3A_702 = vector.shape_cast %get3A_701 : vector<1x16xf32> to vector<16xf32>
        %sub3A_703 = arith.subf %get3A_686, %get3A_696 : vector<16xf32>
        %sub3A_704 = arith.subf %get3A_692, %get3A_702 : vector<16xf32>
        %mul3A_705 = arith.mulf %sub3A_703, %sub3A_703 : vector<16xf32>
        %mul3A_706 = arith.constant 32 : i32
        %mul3A_707 = arith.muli %add3A_670, %mul3A_706 : i32
        %swap3A_708 = arith.index_cast %mul3A_707 : i32 to index
        %swap3A_709 = tpu.vector_load %arg13[%swap3A_708] {strides = array<i32>} : memref<8192xf32, #tpu.memory_space<vmem>>, vector<16xf32>,
        %swap3A_710 = vector.shape_cast %swap3A_709 : vector<16xf32> to vector<16xf32>
        %swap3A_711 = vector.shape_cast %mul3A_705 : vector<16xf32> to vector<16xf32>
        tpu.vector_store %arg13[%swap3A_708], %swap3A_711 {strides = array<i32>} : memref<8192xf32, #tpu.memory_space<vmem>>, vector<16xf32>,
        %mul3A_712 = arith.mulf %sub3A_704, %sub3A_704 : vector<16xf32>
        %mul3A_713 = arith.constant 32 : i32
        %mul3A_714 = arith.muli %add3A_670, %mul3A_713 : i32
        %add3A_715 = arith.constant 16 : i32
        %add3A_716 = arith.addi %mul3A_714, %add3A_715 : i32
        %swap3A_717 = arith.index_cast %add3A_716 : i32 to index
        %swap3A_718 = tpu.vector_load %arg13[%swap3A_717] {strides = array<i32>} : memref<8192xf32, #tpu.memory_space<vmem>>, vector<16xf32>,
        %swap3A_719 = vector.shape_cast %swap3A_718 : vector<16xf32> to vector<16xf32>
        %swap3A_720 = vector.shape_cast %mul3A_712 : vector<16xf32> to vector<16xf32>
        tpu.vector_store %arg13[%swap3A_717], %swap3A_720 {strides = array<i32>} : memref<8192xf32, #tpu.memory_space<vmem>>, vector<16xf32>,
        %add3A_721 = arith.constant 13 : i32
        %add3A_722 = arith.addi %mul3A_44, %add3A_721 : i32
        %slice3A_723 = vector.extract_strided_slice %get3A_46 {offsets = [13], sizes = [1], strides = [1]} : vector<16xi32> to vector<1xi32>
        %squeeze3A_724 = vector.extract %slice3A_723[0] : i32 from vector<1xi32>
        %and3A_725 = arith.constant 3 : i32
        %and3A_726 = arith.andi %squeeze3A_724, %and3A_725 : i32
        %mul3A_727 = arith.constant 32 : i32
        %mul3A_728 = arith.muli %and3A_726, %mul3A_727 : i32
        %slice3A_729 = vector.extract_strided_slice %get3A_49 {offsets = [13], sizes = [1], strides = [1]} : vector<16xi32> to vector<1xi32>
        %squeeze3A_730 = vector.extract %slice3A_729[0] : i32 from vector<1xi32>
        %and3A_731 = arith.constant 3 : i32
        %and3A_732 = arith.andi %squeeze3A_730, %and3A_731 : i32
        %mul3A_733 = arith.constant 32 : i32
        %mul3A_734 = arith.muli %and3A_732, %mul3A_733 : i32
        %get3A_735 = arith.index_cast %add3A_722 : i32 to index
        %get3A_736 = arith.index_cast %mul3A_728 : i32 to index
        %get3A_737 = tpu.vector_load %arg11[%get3A_735, %get3A_736] {strides = array<i32>} : memref<256x128xf32, #tpu.memory_space<vmem>>, vector<1x16xf32>,
        %get3A_738 = vector.shape_cast %get3A_737 : vector<1x16xf32> to vector<16xf32>
        %add3A_739 = arith.constant 16 : i32
        %add3A_740 = arith.addi %mul3A_728, %add3A_739 : i32
        %get3A_741 = arith.index_cast %add3A_722 : i32 to index
        %get3A_742 = arith.index_cast %add3A_740 : i32 to index
        %get3A_743 = tpu.vector_load %arg11[%get3A_741, %get3A_742] {strides = array<i32>} : memref<256x128xf32, #tpu.memory_space<vmem>>, vector<1x16xf32>,
        %get3A_744 = vector.shape_cast %get3A_743 : vector<1x16xf32> to vector<16xf32>
        %get3A_745 = arith.index_cast %add3A_722 : i32 to index
        %get3A_746 = arith.index_cast %mul3A_734 : i32 to index
        %get3A_747 = tpu.vector_load %arg12[%get3A_745, %get3A_746] {strides = array<i32>} : memref<256x128xf32, #tpu.memory_space<vmem>>, vector<1x16xf32>,
        %get3A_748 = vector.shape_cast %get3A_747 : vector<1x16xf32> to vector<16xf32>
        %add3A_749 = arith.constant 16 : i32
        %add3A_750 = arith.addi %mul3A_734, %add3A_749 : i32
        %get3A_751 = arith.index_cast %add3A_722 : i32 to index
        %get3A_752 = arith.index_cast %add3A_750 : i32 to index
        %get3A_753 = tpu.vector_load %arg12[%get3A_751, %get3A_752] {strides = array<i32>} : memref<256x128xf32, #tpu.memory_space<vmem>>, vector<1x16xf32>,
        %get3A_754 = vector.shape_cast %get3A_753 : vector<1x16xf32> to vector<16xf32>
        %sub3A_755 = arith.subf %get3A_738, %get3A_748 : vector<16xf32>
        %sub3A_756 = arith.subf %get3A_744, %get3A_754 : vector<16xf32>
        %mul3A_757 = arith.mulf %sub3A_755, %sub3A_755 : vector<16xf32>
        %mul3A_758 = arith.constant 32 : i32
        %mul3A_759 = arith.muli %add3A_722, %mul3A_758 : i32
        %swap3A_760 = arith.index_cast %mul3A_759 : i32 to index
        %swap3A_761 = tpu.vector_load %arg13[%swap3A_760] {strides = array<i32>} : memref<8192xf32, #tpu.memory_space<vmem>>, vector<16xf32>,
        %swap3A_762 = vector.shape_cast %swap3A_761 : vector<16xf32> to vector<16xf32>
        %swap3A_763 = vector.shape_cast %mul3A_757 : vector<16xf32> to vector<16xf32>
        tpu.vector_store %arg13[%swap3A_760], %swap3A_763 {strides = array<i32>} : memref<8192xf32, #tpu.memory_space<vmem>>, vector<16xf32>,
        %mul3A_764 = arith.mulf %sub3A_756, %sub3A_756 : vector<16xf32>
        %mul3A_765 = arith.constant 32 : i32
        %mul3A_766 = arith.muli %add3A_722, %mul3A_765 : i32
        %add3A_767 = arith.constant 16 : i32
        %add3A_768 = arith.addi %mul3A_766, %add3A_767 : i32
        %swap3A_769 = arith.index_cast %add3A_768 : i32 to index
        %swap3A_770 = tpu.vector_load %arg13[%swap3A_769] {strides = array<i32>} : memref<8192xf32, #tpu.memory_space<vmem>>, vector<16xf32>,
        %swap3A_771 = vector.shape_cast %swap3A_770 : vector<16xf32> to vector<16xf32>
        %swap3A_772 = vector.shape_cast %mul3A_764 : vector<16xf32> to vector<16xf32>
        tpu.vector_store %arg13[%swap3A_769], %swap3A_772 {strides = array<i32>} : memref<8192xf32, #tpu.memory_space<vmem>>, vector<16xf32>,
        %add3A_773 = arith.constant 14 : i32
        %add3A_774 = arith.addi %mul3A_44, %add3A_773 : i32
        %slice3A_775 = vector.extract_strided_slice %get3A_46 {offsets = [14], sizes = [1], strides = [1]} : vector<16xi32> to vector<1xi32>
        %squeeze3A_776 = vector.extract %slice3A_775[0] : i32 from vector<1xi32>
        %and3A_777 = arith.constant 3 : i32
        %and3A_778 = arith.andi %squeeze3A_776, %and3A_777 : i32
        %mul3A_779 = arith.constant 32 : i32
        %mul3A_780 = arith.muli %and3A_778, %mul3A_779 : i32
        %slice3A_781 = vector.extract_strided_slice %get3A_49 {offsets = [14], sizes = [1], strides = [1]} : vector<16xi32> to vector<1xi32>
        %squeeze3A_782 = vector.extract %slice3A_781[0] : i32 from vector<1xi32>
        %and3A_783 = arith.constant 3 : i32
        %and3A_784 = arith.andi %squeeze3A_782, %and3A_783 : i32
        %mul3A_785 = arith.constant 32 : i32
        %mul3A_786 = arith.muli %and3A_784, %mul3A_785 : i32
        %get3A_787 = arith.index_cast %add3A_774 : i32 to index
        %get3A_788 = arith.index_cast %mul3A_780 : i32 to index
        %get3A_789 = tpu.vector_load %arg11[%get3A_787, %get3A_788] {strides = array<i32>} : memref<256x128xf32, #tpu.memory_space<vmem>>, vector<1x16xf32>,
        %get3A_790 = vector.shape_cast %get3A_789 : vector<1x16xf32> to vector<16xf32>
        %add3A_791 = arith.constant 16 : i32
        %add3A_792 = arith.addi %mul3A_780, %add3A_791 : i32
        %get3A_793 = arith.index_cast %add3A_774 : i32 to index
        %get3A_794 = arith.index_cast %add3A_792 : i32 to index
        %get3A_795 = tpu.vector_load %arg11[%get3A_793, %get3A_794] {strides = array<i32>} : memref<256x128xf32, #tpu.memory_space<vmem>>, vector<1x16xf32>,
        %get3A_796 = vector.shape_cast %get3A_795 : vector<1x16xf32> to vector<16xf32>
        %get3A_797 = arith.index_cast %add3A_774 : i32 to index
        %get3A_798 = arith.index_cast %mul3A_786 : i32 to index
        %get3A_799 = tpu.vector_load %arg12[%get3A_797, %get3A_798] {strides = array<i32>} : memref<256x128xf32, #tpu.memory_space<vmem>>, vector<1x16xf32>,
        %get3A_800 = vector.shape_cast %get3A_799 : vector<1x16xf32> to vector<16xf32>
        %add3A_801 = arith.constant 16 : i32
        %add3A_802 = arith.addi %mul3A_786, %add3A_801 : i32
        %get3A_803 = arith.index_cast %add3A_774 : i32 to index
        %get3A_804 = arith.index_cast %add3A_802 : i32 to index
        %get3A_805 = tpu.vector_load %arg12[%get3A_803, %get3A_804] {strides = array<i32>} : memref<256x128xf32, #tpu.memory_space<vmem>>, vector<1x16xf32>,
        %get3A_806 = vector.shape_cast %get3A_805 : vector<1x16xf32> to vector<16xf32>
        %sub3A_807 = arith.subf %get3A_790, %get3A_800 : vector<16xf32>
        %sub3A_808 = arith.subf %get3A_796, %get3A_806 : vector<16xf32>
        %mul3A_809 = arith.mulf %sub3A_807, %sub3A_807 : vector<16xf32>
        %mul3A_810 = arith.constant 32 : i32
        %mul3A_811 = arith.muli %add3A_774, %mul3A_810 : i32
        %swap3A_812 = arith.index_cast %mul3A_811 : i32 to index
        %swap3A_813 = tpu.vector_load %arg13[%swap3A_812] {strides = array<i32>} : memref<8192xf32, #tpu.memory_space<vmem>>, vector<16xf32>,
        %swap3A_814 = vector.shape_cast %swap3A_813 : vector<16xf32> to vector<16xf32>
        %swap3A_815 = vector.shape_cast %mul3A_809 : vector<16xf32> to vector<16xf32>
        tpu.vector_store %arg13[%swap3A_812], %swap3A_815 {strides = array<i32>} : memref<8192xf32, #tpu.memory_space<vmem>>, vector<16xf32>,
        %mul3A_816 = arith.mulf %sub3A_808, %sub3A_808 : vector<16xf32>
        %mul3A_817 = arith.constant 32 : i32
        %mul3A_818 = arith.muli %add3A_774, %mul3A_817 : i32
        %add3A_819 = arith.constant 16 : i32
        %add3A_820 = arith.addi %mul3A_818, %add3A_819 : i32
        %swap3A_821 = arith.index_cast %add3A_820 : i32 to index
        %swap3A_822 = tpu.vector_load %arg13[%swap3A_821] {strides = array<i32>} : memref<8192xf32, #tpu.memory_space<vmem>>, vector<16xf32>,
        %swap3A_823 = vector.shape_cast %swap3A_822 : vector<16xf32> to vector<16xf32>
        %swap3A_824 = vector.shape_cast %mul3A_816 : vector<16xf32> to vector<16xf32>
        tpu.vector_store %arg13[%swap3A_821], %swap3A_824 {strides = array<i32>} : memref<8192xf32, #tpu.memory_space<vmem>>, vector<16xf32>,
        %add3A_825 = arith.constant 15 : i32
        %add3A_826 = arith.addi %mul3A_44, %add3A_825 : i32
        %slice3A_827 = vector.extract_strided_slice %get3A_46 {offsets = [15], sizes = [1], strides = [1]} : vector<16xi32> to vector<1xi32>
        %squeeze3A_828 = vector.extract %slice3A_827[0] : i32 from vector<1xi32>
        %and3A_829 = arith.constant 3 : i32
        %and3A_830 = arith.andi %squeeze3A_828, %and3A_829 : i32
        %mul3A_831 = arith.constant 32 : i32
        %mul3A_832 = arith.muli %and3A_830, %mul3A_831 : i32
        %slice3A_833 = vector.extract_strided_slice %get3A_49 {offsets = [15], sizes = [1], strides = [1]} : vector<16xi32> to vector<1xi32>
        %squeeze3A_834 = vector.extract %slice3A_833[0] : i32 from vector<1xi32>
        %and3A_835 = arith.constant 3 : i32
        %and3A_836 = arith.andi %squeeze3A_834, %and3A_835 : i32
        %mul3A_837 = arith.constant 32 : i32
        %mul3A_838 = arith.muli %and3A_836, %mul3A_837 : i32
        %get3A_839 = arith.index_cast %add3A_826 : i32 to index
        %get3A_840 = arith.index_cast %mul3A_832 : i32 to index
        %get3A_841 = tpu.vector_load %arg11[%get3A_839, %get3A_840] {strides = array<i32>} : memref<256x128xf32, #tpu.memory_space<vmem>>, vector<1x16xf32>,
        %get3A_842 = vector.shape_cast %get3A_841 : vector<1x16xf32> to vector<16xf32>
        %add3A_843 = arith.constant 16 : i32
        %add3A_844 = arith.addi %mul3A_832, %add3A_843 : i32
        %get3A_845 = arith.index_cast %add3A_826 : i32 to index
        %get3A_846 = arith.index_cast %add3A_844 : i32 to index
        %get3A_847 = tpu.vector_load %arg11[%get3A_845, %get3A_846] {strides = array<i32>} : memref<256x128xf32, #tpu.memory_space<vmem>>, vector<1x16xf32>,
        %get3A_848 = vector.shape_cast %get3A_847 : vector<1x16xf32> to vector<16xf32>
        %get3A_849 = arith.index_cast %add3A_826 : i32 to index
        %get3A_850 = arith.index_cast %mul3A_838 : i32 to index
        %get3A_851 = tpu.vector_load %arg12[%get3A_849, %get3A_850] {strides = array<i32>} : memref<256x128xf32, #tpu.memory_space<vmem>>, vector<1x16xf32>,
        %get3A_852 = vector.shape_cast %get3A_851 : vector<1x16xf32> to vector<16xf32>
        %add3A_853 = arith.constant 16 : i32
        %add3A_854 = arith.addi %mul3A_838, %add3A_853 : i32
        %get3A_855 = arith.index_cast %add3A_826 : i32 to index
        %get3A_856 = arith.index_cast %add3A_854 : i32 to index
        %get3A_857 = tpu.vector_load %arg12[%get3A_855, %get3A_856] {strides = array<i32>} : memref<256x128xf32, #tpu.memory_space<vmem>>, vector<1x16xf32>,
        %get3A_858 = vector.shape_cast %get3A_857 : vector<1x16xf32> to vector<16xf32>
        %sub3A_859 = arith.subf %get3A_842, %get3A_852 : vector<16xf32>
        %sub3A_860 = arith.subf %get3A_848, %get3A_858 : vector<16xf32>
        %mul3A_861 = arith.mulf %sub3A_859, %sub3A_859 : vector<16xf32>
        %mul3A_862 = arith.constant 32 : i32
        %mul3A_863 = arith.muli %add3A_826, %mul3A_862 : i32
        %swap3A_864 = arith.index_cast %mul3A_863 : i32 to index
        %swap3A_865 = tpu.vector_load %arg13[%swap3A_864] {strides = array<i32>} : memref<8192xf32, #tpu.memory_space<vmem>>, vector<16xf32>,
        %swap3A_866 = vector.shape_cast %swap3A_865 : vector<16xf32> to vector<16xf32>
        %swap3A_867 = vector.shape_cast %mul3A_861 : vector<16xf32> to vector<16xf32>
        tpu.vector_store %arg13[%swap3A_864], %swap3A_867 {strides = array<i32>} : memref<8192xf32, #tpu.memory_space<vmem>>, vector<16xf32>,
        %mul3A_868 = arith.mulf %sub3A_860, %sub3A_860 : vector<16xf32>
        %mul3A_869 = arith.constant 32 : i32
        %mul3A_870 = arith.muli %add3A_826, %mul3A_869 : i32
        %add3A_871 = arith.constant 16 : i32
        %add3A_872 = arith.addi %mul3A_870, %add3A_871 : i32
        %swap3A_873 = arith.index_cast %add3A_872 : i32 to index
        %swap3A_874 = tpu.vector_load %arg13[%swap3A_873] {strides = array<i32>} : memref<8192xf32, #tpu.memory_space<vmem>>, vector<16xf32>,
        %swap3A_875 = vector.shape_cast %swap3A_874 : vector<16xf32> to vector<16xf32>
        %swap3A_876 = vector.shape_cast %mul3A_868 : vector<16xf32> to vector<16xf32>
        tpu.vector_store %arg13[%swap3A_873], %swap3A_876 {strides = array<i32>} : memref<8192xf32, #tpu.memory_space<vmem>>, vector<16xf32>,
        %scan3A_877 = arith.constant 0 : i32
        scf.yield %scan3A_877 : i32
      }
      %scan3A_37 = arith.constant 16 : i32
      %mul3A_38 = arith.constant 32 : i32
      %mul3A_39 = arith.muli %add3A_13, %mul3A_38 : i32
      "tpu.region"() ({
        %run_scoped3A = tpu.sem_alloc : memref<!tpu.dma_semaphore, #tpu.memory_space<semaphore_mem>>
        %dma_start3A_41 = tpu.memref_slice %arg6[%mul3A_39] : memref<13107200xf32, #tpu.memory_space<hbm>> -> memref<8192xf32, #tpu.memory_space<hbm>>
        %dma_start3A_42 = tpu.memref_slice %arg6[%mul3A_39] : memref<13107200xf32, #tpu.memory_space<hbm>> -> memref<8192xf32, #tpu.memory_space<hbm>>
        tpu.enqueue_dma source(%arg13 : memref<8192xf32, #tpu.memory_space<vmem>>) target(%dma_start3A_42 : memref<8192xf32, #tpu.memory_space<hbm>>) target_semaphore(%run_scoped3A : memref<!tpu.dma_semaphore, #tpu.memory_space<semaphore_mem>>)
        %dma_wait3A_43 = tpu.memref_slice %arg6[%mul3A_39] : memref<13107200xf32, #tpu.memory_space<hbm>> -> memref<8192xf32, #tpu.memory_space<hbm>>
        %dma_wait3A_44 = tpu.memref_slice %arg6[%mul3A_39] : memref<13107200xf32, #tpu.memory_space<hbm>> -> memref<8192xf32, #tpu.memory_space<hbm>>
        tpu.wait_dma2 semaphore(%run_scoped3A : memref<!tpu.dma_semaphore, #tpu.memory_space<semaphore_mem>>) src(%arg13 : memref<8192xf32, #tpu.memory_space<vmem>>) dst(%dma_wait3A_44 : memref<8192xf32, #tpu.memory_space<hbm>>)
        tpu.yield
      }) : () -> ()
      %scan3A_40 = arith.constant 0 : i32
      scf.yield %scan3A_40 : i32
    }
    %scan3A_8 = arith.constant 50 : i32
    return
  }
}

module attributes {stable_mosaic.version = 14 : i64} {
  func.func @_pocket_kernel(%arg0: i32, %arg1: memref<2000x24xf32, #tpu.memory_space<vmem>>, %arg2: memref<2000x3xf32, #tpu.memory_space<vmem>>, %arg3: memref<2000x1xf32, #tpu.memory_space<vmem>>, %arg4: memref<2000x3xf32, #tpu.memory_space<vmem>>, %arg5: memref<2000x3xf32, #tpu.memory_space<vmem>>, %arg6: memref<2000x1xf32, #tpu.memory_space<vmem>>, %arg7: memref<2000x8xf32, #tpu.memory_space<vmem>>, %arg8: memref<2000x8xf32, #tpu.memory_space<vmem>>, %arg9: memref<2000x8xf32, #tpu.memory_space<vmem>>, %arg10: memref<2000x4xf32, #tpu.memory_space<vmem>>, %arg11: memref<1x1x2000xi32, #tpu.memory_space<vmem>>, %arg12: memref<288x16xf32, #tpu.memory_space<vmem>>) attributes {dimension_semantics = [#tpu.dimension_semantics<arbitrary>], iteration_bounds = array<i64: 100>, scalar_prefetch = 0 : i64, scratch_operands = 0 : i64, tpu.core_type = #tpu.core_type<tc>, window_params = [{transform_indices = @transform_0, window_bounds = array<i64: 2000, 24>}, {transform_indices = @transform_1, window_bounds = array<i64: 2000, 3>}, {transform_indices = @transform_2, window_bounds = array<i64: 2000, 1>}, {transform_indices = @transform_3, window_bounds = array<i64: 2000, 3>}, {transform_indices = @transform_4, window_bounds = array<i64: 2000, 3>}, {transform_indices = @transform_5, window_bounds = array<i64: 2000, 1>}, {transform_indices = @transform_6, window_bounds = array<i64: 2000, 8>}, {transform_indices = @transform_7, window_bounds = array<i64: 2000, 8>}, {transform_indices = @transform_8, window_bounds = array<i64: 2000, 8>}, {transform_indices = @transform_9, window_bounds = array<i64: 2000, 4>}, {transform_indices = @transform_10, window_bounds = array<i64: 1, 1, 2000>}, {pipeline_mode = #tpu.pipeline_mode<synchronous>, transform_indices = @transform_11, window_bounds = array<i64: 288, 16>}]} {
    %eq3A = arith.constant 0 : i32
    %eq3A_0 = arith.cmpi eq, %arg0, %eq3A : i32
    %convert_element_type3A = arith.extui %eq3A_0 : i1 to i32
    %cond3A = arith.constant 0 : i32
    %cond3A_1 = arith.cmpi ne, %convert_element_type3A, %cond3A : i32
    scf.if %cond3A_1 {
      %broadcast_in_dim3A_296 = arith.constant 0.000000e+00 : f32
      %broadcast_in_dim3A_297 = vector.broadcast %broadcast_in_dim3A_296 : f32 to vector<288x16xf32>
      %swap3A = arith.constant 0 : index
      %swap3A_298 = arith.constant 0 : index
      %swap3A_299 = vector.load %arg12[%swap3A, %swap3A_298] : memref<288x16xf32, #tpu.memory_space<vmem>>, vector<288x16xf32>
      tpu.vector_store %arg12[%swap3A, %swap3A_298], %broadcast_in_dim3A_297 {strides = array<i32>} : memref<288x16xf32, #tpu.memory_space<vmem>>, vector<288x16xf32>,
    } else {
    }
    %iota3A = tpu.iota {dimensions = array<i32: 0>} : vector<8x24xi32>
    %iota3A_2 = tpu.iota {dimensions = array<i32: 1>} : vector<8x24xi32>
    %mul3A = arith.constant 3 : i32
    %mul3A_3 = vector.broadcast %mul3A : i32 to vector<8x24xi32>
    %mul3A_4 = arith.muli %mul3A_3, %iota3A : vector<8x24xi32>
    %eq3A_5 = arith.cmpi eq, %iota3A_2, %mul3A_4 : vector<8x24xi32>
    %convert_element_type3A_6 = arith.extui %eq3A_5 : vector<8x24xi1> to vector<8x24xi32>
    %convert_element_type3A_7 = arith.sitofp %convert_element_type3A_6 : vector<8x24xi32> to vector<8x24xf32>
    %mul3A_8 = arith.constant 3 : i32
    %mul3A_9 = vector.broadcast %mul3A_8 : i32 to vector<8x24xi32>
    %mul3A_10 = arith.muli %mul3A_9, %iota3A : vector<8x24xi32>
    %add3A = arith.constant 1 : i32
    %add3A_11 = vector.broadcast %add3A : i32 to vector<8x24xi32>
    %add3A_12 = arith.addi %mul3A_10, %add3A_11 : vector<8x24xi32>
    %eq3A_13 = arith.cmpi eq, %iota3A_2, %add3A_12 : vector<8x24xi32>
    %convert_element_type3A_14 = arith.extui %eq3A_13 : vector<8x24xi1> to vector<8x24xi32>
    %convert_element_type3A_15 = arith.sitofp %convert_element_type3A_14 : vector<8x24xi32> to vector<8x24xf32>
    %mul3A_16 = arith.constant 3 : i32
    %mul3A_17 = vector.broadcast %mul3A_16 : i32 to vector<8x24xi32>
    %mul3A_18 = arith.muli %mul3A_17, %iota3A : vector<8x24xi32>
    %add3A_19 = arith.constant 2 : i32
    %add3A_20 = vector.broadcast %add3A_19 : i32 to vector<8x24xi32>
    %add3A_21 = arith.addi %mul3A_18, %add3A_20 : vector<8x24xi32>
    %eq3A_22 = arith.cmpi eq, %iota3A_2, %add3A_21 : vector<8x24xi32>
    %convert_element_type3A_23 = arith.extui %eq3A_22 : vector<8x24xi1> to vector<8x24xi32>
    %convert_element_type3A_24 = arith.sitofp %convert_element_type3A_23 : vector<8x24xi32> to vector<8x24xf32>
    %iota3A_25 = tpu.iota {dimensions = array<i32: 0>} : vector<4x8xi32>
    %iota3A_26 = tpu.iota {dimensions = array<i32: 1>} : vector<4x8xi32>
    %mul3A_27 = arith.constant 2 : i32
    %mul3A_28 = vector.broadcast %mul3A_27 : i32 to vector<4x8xi32>
    %mul3A_29 = arith.muli %mul3A_28, %iota3A_25 : vector<4x8xi32>
    %eq3A_30 = arith.cmpi eq, %iota3A_26, %mul3A_29 : vector<4x8xi32>
    %convert_element_type3A_31 = arith.extui %eq3A_30 : vector<4x8xi1> to vector<4x8xi32>
    %convert_element_type3A_32 = arith.sitofp %convert_element_type3A_31 : vector<4x8xi32> to vector<4x8xf32>
    %mul3A_33 = arith.constant 2 : i32
    %mul3A_34 = vector.broadcast %mul3A_33 : i32 to vector<4x8xi32>
    %mul3A_35 = arith.muli %mul3A_34, %iota3A_25 : vector<4x8xi32>
    %add3A_36 = arith.constant 1 : i32
    %add3A_37 = vector.broadcast %add3A_36 : i32 to vector<4x8xi32>
    %add3A_38 = arith.addi %mul3A_35, %add3A_37 : vector<4x8xi32>
    %eq3A_39 = arith.cmpi eq, %iota3A_26, %add3A_38 : vector<4x8xi32>
    %convert_element_type3A_40 = arith.extui %eq3A_39 : vector<4x8xi1> to vector<4x8xi32>
    %convert_element_type3A_41 = arith.sitofp %convert_element_type3A_40 : vector<4x8xi32> to vector<4x8xf32>
    %iota3A_42 = tpu.iota {dimensions = array<i32: 1>} : vector<1x3xi32>
    %ge3A = arith.constant 0 : i32
    %ge3A_43 = vector.broadcast %ge3A : i32 to vector<1x3xi32>
    %ge3A_44 = arith.cmpi sge, %iota3A_42, %ge3A_43 : vector<1x3xi32>
    %convert_element_type3A_45 = arith.extui %ge3A_44 : vector<1x3xi1> to vector<1x3xi32>
    %convert_element_type3A_46 = arith.sitofp %convert_element_type3A_45 : vector<1x3xi32> to vector<1x3xf32>
    %iota3A_47 = tpu.iota {dimensions = array<i32: 0>} : vector<4x4xi32>
    %iota3A_48 = tpu.iota {dimensions = array<i32: 1>} : vector<4x4xi32>
    %eq3A_49 = arith.cmpi eq, %iota3A_47, %iota3A_48 : vector<4x4xi32>
    %convert_element_type3A_50 = arith.extui %eq3A_49 : vector<4x4xi1> to vector<4x4xi32>
    %convert_element_type3A_51 = arith.sitofp %convert_element_type3A_50 : vector<4x4xi32> to vector<4x4xf32>
    %eq3A_52 = arith.constant 0 : i32
    %eq3A_53 = vector.broadcast %eq3A_52 : i32 to vector<1x3xi32>
    %eq3A_54 = arith.cmpi eq, %iota3A_42, %eq3A_53 : vector<1x3xi32>
    %convert_element_type3A_55 = arith.extui %eq3A_54 : vector<1x3xi1> to vector<1x3xi32>
    %convert_element_type3A_56 = arith.sitofp %convert_element_type3A_55 : vector<1x3xi32> to vector<1x3xf32>
    %eq3A_57 = arith.constant 1 : i32
    %eq3A_58 = vector.broadcast %eq3A_57 : i32 to vector<1x3xi32>
    %eq3A_59 = arith.cmpi eq, %iota3A_42, %eq3A_58 : vector<1x3xi32>
    %convert_element_type3A_60 = arith.extui %eq3A_59 : vector<1x3xi1> to vector<1x3xi32>
    %convert_element_type3A_61 = arith.sitofp %convert_element_type3A_60 : vector<1x3xi32> to vector<1x3xf32>
    %eq3A_62 = arith.constant 2 : i32
    %eq3A_63 = vector.broadcast %eq3A_62 : i32 to vector<1x3xi32>
    %eq3A_64 = arith.cmpi eq, %iota3A_42, %eq3A_63 : vector<1x3xi32>
    %convert_element_type3A_65 = arith.extui %eq3A_64 : vector<1x3xi1> to vector<1x3xi32>
    %convert_element_type3A_66 = arith.sitofp %convert_element_type3A_65 : vector<1x3xi32> to vector<1x3xf32>
    %get3A = arith.constant 0 : index
    %get3A_67 = arith.constant 0 : index
    %get3A_68 = vector.load %arg1[%get3A, %get3A_67] : memref<2000x24xf32, #tpu.memory_space<vmem>>, vector<2000x24xf32>
    %get3A_69 = arith.constant 0 : index
    %get3A_70 = arith.constant 0 : index
    %get3A_71 = vector.load %arg2[%get3A_69, %get3A_70] : memref<2000x3xf32, #tpu.memory_space<vmem>>, vector<2000x3xf32>
    %dot_general3A = arith.constant dense<0.000000e+00> : vector<8x2000xf32>
    %dot_general3A_72 = tpu.matmul %convert_element_type3A_7, %get3A_68, %dot_general3A {dimension_numbers = #tpu.dot_dimension_numbers<[1], [1], [0], [0], [0, 0, 1, 0], [], []>, transpose_lhs_hint = false} : vector<8x24xf32>, vector<2000x24xf32>, vector<8x2000xf32> -> vector<8x2000xf32>
    %dot_general3A_73 = arith.constant dense<0.000000e+00> : vector<8x2000xf32>
    %dot_general3A_74 = tpu.matmul %convert_element_type3A_15, %get3A_68, %dot_general3A_73 {dimension_numbers = #tpu.dot_dimension_numbers<[1], [1], [0], [0], [0, 0, 1, 0], [], []>, transpose_lhs_hint = false} : vector<8x24xf32>, vector<2000x24xf32>, vector<8x2000xf32> -> vector<8x2000xf32>
    %dot_general3A_75 = arith.constant dense<0.000000e+00> : vector<8x2000xf32>
    %dot_general3A_76 = tpu.matmul %convert_element_type3A_24, %get3A_68, %dot_general3A_75 {dimension_numbers = #tpu.dot_dimension_numbers<[1], [1], [0], [0], [0, 0, 1, 0], [], []>, transpose_lhs_hint = false} : vector<8x24xf32>, vector<2000x24xf32>, vector<8x2000xf32> -> vector<8x2000xf32>
    %dot_general3A_77 = arith.constant dense<0.000000e+00> : vector<1x2000xf32>
    %dot_general3A_78 = tpu.matmul %convert_element_type3A_56, %get3A_71, %dot_general3A_77 {dimension_numbers = #tpu.dot_dimension_numbers<[1], [1], [0], [0], [0, 0, 1, 0], [], []>, transpose_lhs_hint = false} : vector<1x3xf32>, vector<2000x3xf32>, vector<1x2000xf32> -> vector<1x2000xf32>
    %dot_general3A_79 = arith.constant dense<0.000000e+00> : vector<1x2000xf32>
    %dot_general3A_80 = tpu.matmul %convert_element_type3A_61, %get3A_71, %dot_general3A_79 {dimension_numbers = #tpu.dot_dimension_numbers<[1], [1], [0], [0], [0, 0, 1, 0], [], []>, transpose_lhs_hint = false} : vector<1x3xf32>, vector<2000x3xf32>, vector<1x2000xf32> -> vector<1x2000xf32>
    %dot_general3A_81 = arith.constant dense<0.000000e+00> : vector<1x2000xf32>
    %dot_general3A_82 = tpu.matmul %convert_element_type3A_66, %get3A_71, %dot_general3A_81 {dimension_numbers = #tpu.dot_dimension_numbers<[1], [1], [0], [0], [0, 0, 1, 0], [], []>, transpose_lhs_hint = false} : vector<1x3xf32>, vector<2000x3xf32>, vector<1x2000xf32> -> vector<1x2000xf32>
    %broadcast_in_dim3A = arith.constant 1.000000e+00 : f32
    %broadcast_in_dim3A_83 = vector.broadcast %broadcast_in_dim3A : f32 to vector<1x1xf32>
    %get3A_84 = arith.constant 0 : index
    %get3A_85 = arith.constant 0 : index
    %get3A_86 = vector.load %arg3[%get3A_84, %get3A_85] : memref<2000x1xf32, #tpu.memory_space<vmem>>, vector<2000x1xf32>
    %dot_general3A_87 = arith.constant dense<0.000000e+00> : vector<1x2000xf32>
    %dot_general3A_88 = tpu.matmul %broadcast_in_dim3A_83, %get3A_86, %dot_general3A_87 {dimension_numbers = #tpu.dot_dimension_numbers<[1], [1], [0], [0], [0, 0, 1, 0], [], []>, transpose_lhs_hint = false} : vector<1x1xf32>, vector<2000x1xf32>, vector<1x2000xf32> -> vector<1x2000xf32>
    %sub3A = vector.broadcast %dot_general3A_78 : vector<1x2000xf32> to vector<8x2000xf32>
    %sub3A_89 = arith.subf %dot_general3A_72, %sub3A : vector<8x2000xf32>
    %sub3A_90 = vector.broadcast %dot_general3A_80 : vector<1x2000xf32> to vector<8x2000xf32>
    %sub3A_91 = arith.subf %dot_general3A_74, %sub3A_90 : vector<8x2000xf32>
    %sub3A_92 = vector.broadcast %dot_general3A_82 : vector<1x2000xf32> to vector<8x2000xf32>
    %sub3A_93 = arith.subf %dot_general3A_76, %sub3A_92 : vector<8x2000xf32>
    %mul3A_94 = arith.mulf %sub3A_89, %sub3A_89 : vector<8x2000xf32>
    %mul3A_95 = arith.mulf %sub3A_91, %sub3A_91 : vector<8x2000xf32>
    %add3A_96 = arith.addf %mul3A_94, %mul3A_95 : vector<8x2000xf32>
    %mul3A_97 = arith.mulf %sub3A_93, %sub3A_93 : vector<8x2000xf32>
    %add3A_98 = arith.addf %add3A_96, %mul3A_97 : vector<8x2000xf32>
    %mul3A_99 = vector.broadcast %dot_general3A_88 : vector<1x2000xf32> to vector<8x2000xf32>
    %mul3A_100 = arith.mulf %add3A_98, %mul3A_99 : vector<8x2000xf32>
    %get3A_101 = arith.constant 0 : index
    %get3A_102 = arith.constant 0 : index
    %get3A_103 = vector.load %arg4[%get3A_101, %get3A_102] : memref<2000x3xf32, #tpu.memory_space<vmem>>, vector<2000x3xf32>
    %get3A_104 = arith.constant 0 : index
    %get3A_105 = arith.constant 0 : index
    %get3A_106 = vector.load %arg5[%get3A_104, %get3A_105] : memref<2000x3xf32, #tpu.memory_space<vmem>>, vector<2000x3xf32>
    %sub3A_107 = arith.subf %get3A_103, %get3A_106 : vector<2000x3xf32>
    %broadcast_in_dim3A_108 = arith.constant 1.000000e+00 : f32
    %broadcast_in_dim3A_109 = vector.broadcast %broadcast_in_dim3A_108 : f32 to vector<1x1xf32>
    %get3A_110 = arith.constant 0 : index
    %get3A_111 = arith.constant 0 : index
    %get3A_112 = vector.load %arg6[%get3A_110, %get3A_111] : memref<2000x1xf32, #tpu.memory_space<vmem>>, vector<2000x1xf32>
    %dot_general3A_113 = arith.constant dense<0.000000e+00> : vector<1x2000xf32>
    %dot_general3A_114 = tpu.matmul %broadcast_in_dim3A_109, %get3A_112, %dot_general3A_113 {dimension_numbers = #tpu.dot_dimension_numbers<[1], [1], [0], [0], [0, 0, 1, 0], [], []>, transpose_lhs_hint = false} : vector<1x1xf32>, vector<2000x1xf32>, vector<1x2000xf32> -> vector<1x2000xf32>
    %mul3A_115 = arith.mulf %sub3A_107, %sub3A_107 : vector<2000x3xf32>
    %dot_general3A_116 = arith.constant dense<0.000000e+00> : vector<1x2000xf32>
    %dot_general3A_117 = tpu.matmul %convert_element_type3A_46, %mul3A_115, %dot_general3A_116 {dimension_numbers = #tpu.dot_dimension_numbers<[1], [1], [0], [0], [0, 0, 1, 0], [], []>, transpose_lhs_hint = false} : vector<1x3xf32>, vector<2000x3xf32>, vector<1x2000xf32> -> vector<1x2000xf32>
    %mul3A_118 = arith.mulf %dot_general3A_117, %dot_general3A_114 : vector<1x2000xf32>
    %get3A_119 = arith.constant 0 : index
    %get3A_120 = arith.constant 0 : index
    %get3A_121 = vector.load %arg7[%get3A_119, %get3A_120] : memref<2000x8xf32, #tpu.memory_space<vmem>>, vector<2000x8xf32>
    %dot_general3A_122 = arith.constant dense<0.000000e+00> : vector<4x2000xf32>
    %dot_general3A_123 = tpu.matmul %convert_element_type3A_32, %get3A_121, %dot_general3A_122 {dimension_numbers = #tpu.dot_dimension_numbers<[1], [1], [0], [0], [0, 0, 1, 0], [], []>, transpose_lhs_hint = false} : vector<4x8xf32>, vector<2000x8xf32>, vector<4x2000xf32> -> vector<4x2000xf32>
    %dot_general3A_124 = arith.constant dense<0.000000e+00> : vector<4x2000xf32>
    %dot_general3A_125 = tpu.matmul %convert_element_type3A_41, %get3A_121, %dot_general3A_124 {dimension_numbers = #tpu.dot_dimension_numbers<[1], [1], [0], [0], [0, 0, 1, 0], [], []>, transpose_lhs_hint = false} : vector<4x8xf32>, vector<2000x8xf32>, vector<4x2000xf32> -> vector<4x2000xf32>
    %get3A_126 = arith.constant 0 : index
    %get3A_127 = arith.constant 0 : index
    %get3A_128 = vector.load %arg8[%get3A_126, %get3A_127] : memref<2000x8xf32, #tpu.memory_space<vmem>>, vector<2000x8xf32>
    %dot_general3A_129 = arith.constant dense<0.000000e+00> : vector<4x2000xf32>
    %dot_general3A_130 = tpu.matmul %convert_element_type3A_32, %get3A_128, %dot_general3A_129 {dimension_numbers = #tpu.dot_dimension_numbers<[1], [1], [0], [0], [0, 0, 1, 0], [], []>, transpose_lhs_hint = false} : vector<4x8xf32>, vector<2000x8xf32>, vector<4x2000xf32> -> vector<4x2000xf32>
    %get3A_131 = arith.constant 0 : index
    %get3A_132 = arith.constant 0 : index
    %get3A_133 = vector.load %arg8[%get3A_131, %get3A_132] : memref<2000x8xf32, #tpu.memory_space<vmem>>, vector<2000x8xf32>
    %dot_general3A_134 = arith.constant dense<0.000000e+00> : vector<4x2000xf32>
    %dot_general3A_135 = tpu.matmul %convert_element_type3A_41, %get3A_133, %dot_general3A_134 {dimension_numbers = #tpu.dot_dimension_numbers<[1], [1], [0], [0], [0, 0, 1, 0], [], []>, transpose_lhs_hint = false} : vector<4x8xf32>, vector<2000x8xf32>, vector<4x2000xf32> -> vector<4x2000xf32>
    %get3A_136 = arith.constant 0 : index
    %get3A_137 = arith.constant 0 : index
    %get3A_138 = vector.load %arg9[%get3A_136, %get3A_137] : memref<2000x8xf32, #tpu.memory_space<vmem>>, vector<2000x8xf32>
    %dot_general3A_139 = arith.constant dense<0.000000e+00> : vector<4x2000xf32>
    %dot_general3A_140 = tpu.matmul %convert_element_type3A_32, %get3A_138, %dot_general3A_139 {dimension_numbers = #tpu.dot_dimension_numbers<[1], [1], [0], [0], [0, 0, 1, 0], [], []>, transpose_lhs_hint = false} : vector<4x8xf32>, vector<2000x8xf32>, vector<4x2000xf32> -> vector<4x2000xf32>
    %get3A_141 = arith.constant 0 : index
    %get3A_142 = arith.constant 0 : index
    %get3A_143 = vector.load %arg9[%get3A_141, %get3A_142] : memref<2000x8xf32, #tpu.memory_space<vmem>>, vector<2000x8xf32>
    %dot_general3A_144 = arith.constant dense<0.000000e+00> : vector<4x2000xf32>
    %dot_general3A_145 = tpu.matmul %convert_element_type3A_41, %get3A_143, %dot_general3A_144 {dimension_numbers = #tpu.dot_dimension_numbers<[1], [1], [0], [0], [0, 0, 1, 0], [], []>, transpose_lhs_hint = false} : vector<4x8xf32>, vector<2000x8xf32>, vector<4x2000xf32> -> vector<4x2000xf32>
    %get3A_146 = arith.constant 0 : index
    %get3A_147 = arith.constant 0 : index
    %get3A_148 = vector.load %arg10[%get3A_146, %get3A_147] : memref<2000x4xf32, #tpu.memory_space<vmem>>, vector<2000x4xf32>
    %dot_general3A_149 = arith.constant dense<0.000000e+00> : vector<4x2000xf32>
    %dot_general3A_150 = tpu.matmul %convert_element_type3A_51, %get3A_148, %dot_general3A_149 {dimension_numbers = #tpu.dot_dimension_numbers<[1], [1], [0], [0], [0, 0, 1, 0], [], []>, transpose_lhs_hint = false} : vector<4x4xf32>, vector<2000x4xf32>, vector<4x2000xf32> -> vector<4x2000xf32>
    %sub3A_151 = arith.subf %dot_general3A_123, %dot_general3A_130 : vector<4x2000xf32>
    %sub3A_152 = arith.subf %dot_general3A_125, %dot_general3A_135 : vector<4x2000xf32>
    %mul3A_153 = arith.mulf %sub3A_151, %sub3A_151 : vector<4x2000xf32>
    %mul3A_154 = arith.mulf %sub3A_152, %sub3A_152 : vector<4x2000xf32>
    %add3A_155 = arith.addf %mul3A_153, %mul3A_154 : vector<4x2000xf32>
    %sub3A_156 = arith.subf %dot_general3A_123, %dot_general3A_140 : vector<4x2000xf32>
    %sub3A_157 = arith.subf %dot_general3A_125, %dot_general3A_145 : vector<4x2000xf32>
    %mul3A_158 = arith.mulf %sub3A_156, %sub3A_156 : vector<4x2000xf32>
    %mul3A_159 = arith.mulf %sub3A_157, %sub3A_157 : vector<4x2000xf32>
    %add3A_160 = arith.addf %mul3A_158, %mul3A_159 : vector<4x2000xf32>
    %min3A = arith.minimumf %add3A_155, %add3A_160 : vector<4x2000xf32>
    %mul3A_161 = arith.mulf %dot_general3A_123, %dot_general3A_123 : vector<4x2000xf32>
    %mul3A_162 = arith.mulf %dot_general3A_125, %dot_general3A_125 : vector<4x2000xf32>
    %add3A_163 = arith.addf %mul3A_161, %mul3A_162 : vector<4x2000xf32>
    %sqrt3A = math.sqrt %add3A_163 : vector<4x2000xf32>
    %sub3A_164 = arith.constant 1.000000e+00 : f32
    %sub3A_165 = vector.broadcast %sub3A_164 : f32 to vector<4x2000xf32>
    %sub3A_166 = arith.subf %sqrt3A, %sub3A_165 : vector<4x2000xf32>
    %abs3A = math.absf %sub3A_166 : vector<4x2000xf32>
    %mul3A_167 = arith.constant 0.00999999977 : f32
    %mul3A_168 = vector.broadcast %mul3A_167 : f32 to vector<4x2000xf32>
    %mul3A_169 = arith.mulf %mul3A_168, %abs3A : vector<4x2000xf32>
    %add3A_170 = arith.addf %min3A, %mul3A_169 : vector<4x2000xf32>
    %mul3A_171 = arith.mulf %add3A_170, %dot_general3A_150 : vector<4x2000xf32>
    %reduce_sum3A = arith.constant dense<0.000000e+00> : vector<2000xf32>
    %reduce_sum3A_172 = vector.multi_reduction <add>, %dot_general3A_150, %reduce_sum3A [0] : vector<4x2000xf32> to vector<2000xf32>
    %broadcast_in_dim3A_173 = vector.shape_cast %reduce_sum3A_172 : vector<2000xf32> to vector<1x2000xf32>
    %reduce_sum3A_174 = arith.constant dense<0.000000e+00> : vector<2000xf32>
    %reduce_sum3A_175 = vector.multi_reduction <add>, %mul3A_171, %reduce_sum3A_174 [0] : vector<4x2000xf32> to vector<2000xf32>
    %broadcast_in_dim3A_176 = vector.shape_cast %reduce_sum3A_175 : vector<2000xf32> to vector<1x2000xf32>
    %add3A_177 = arith.constant 9.99999993E-9 : f32
    %add3A_178 = vector.broadcast %add3A_177 : f32 to vector<1x2000xf32>
    %add3A_179 = arith.addf %broadcast_in_dim3A_173, %add3A_178 : vector<1x2000xf32>
    %div3A = arith.divf %broadcast_in_dim3A_176, %add3A_179 : vector<1x2000xf32>
    %concatenate3A = tpu.concatenate %dot_general3A_130, %dot_general3A_140 in 0 : vector<4x2000xf32>, vector<4x2000xf32> -> vector<8x2000xf32>
    %concatenate3A_180 = tpu.concatenate %dot_general3A_135, %dot_general3A_145 in 0 : vector<4x2000xf32>, vector<4x2000xf32> -> vector<8x2000xf32>
    %concatenate3A_181 = tpu.concatenate %dot_general3A_123, %dot_general3A_123 in 0 : vector<4x2000xf32>, vector<4x2000xf32> -> vector<8x2000xf32>
    %concatenate3A_182 = tpu.concatenate %dot_general3A_125, %dot_general3A_125 in 0 : vector<4x2000xf32>, vector<4x2000xf32> -> vector<8x2000xf32>
    %concatenate3A_183 = tpu.concatenate %add3A_163, %add3A_163 in 0 : vector<4x2000xf32>, vector<4x2000xf32> -> vector<8x2000xf32>
    %mul3A_184 = arith.mulf %concatenate3A_181, %concatenate3A : vector<8x2000xf32>
    %mul3A_185 = arith.mulf %concatenate3A_182, %concatenate3A_180 : vector<8x2000xf32>
    %add3A_186 = arith.addf %mul3A_184, %mul3A_185 : vector<8x2000xf32>
    %mul3A_187 = arith.mulf %concatenate3A, %concatenate3A : vector<8x2000xf32>
    %mul3A_188 = arith.mulf %concatenate3A_180, %concatenate3A_180 : vector<8x2000xf32>
    %add3A_189 = arith.addf %mul3A_187, %mul3A_188 : vector<8x2000xf32>
    %mul3A_190 = arith.mulf %concatenate3A_183, %add3A_189 : vector<8x2000xf32>
    %sqrt3A_191 = math.sqrt %mul3A_190 : vector<8x2000xf32>
    %add3A_192 = arith.constant 9.99999993E-9 : f32
    %add3A_193 = vector.broadcast %add3A_192 : f32 to vector<8x2000xf32>
    %add3A_194 = arith.addf %sqrt3A_191, %add3A_193 : vector<8x2000xf32>
    %div3A_195 = arith.divf %add3A_186, %add3A_194 : vector<8x2000xf32>
    %jit3A = arith.constant -0.999998986 : f32
    %jit3A_196 = arith.constant 0.999998986 : f32
    %max3A = vector.broadcast %jit3A : f32 to vector<8x2000xf32>
    %max3A_197 = arith.maximumf %max3A, %div3A_195 : vector<8x2000xf32>
    %min3A_198 = vector.broadcast %jit3A_196 : f32 to vector<8x2000xf32>
    %min3A_199 = arith.minimumf %min3A_198, %max3A_197 : vector<8x2000xf32>
    %abs3A_200 = math.absf %min3A_199 : vector<8x2000xf32>
    %mul3A_201 = arith.constant -1.872930e-02 : f32
    %mul3A_202 = vector.broadcast %mul3A_201 : f32 to vector<8x2000xf32>
    %mul3A_203 = arith.mulf %mul3A_202, %abs3A_200 : vector<8x2000xf32>
    %add3A_204 = arith.constant 7.426100e-02 : f32
    %add3A_205 = vector.broadcast %add3A_204 : f32 to vector<8x2000xf32>
    %add3A_206 = arith.addf %mul3A_203, %add3A_205 : vector<8x2000xf32>
    %mul3A_207 = arith.mulf %add3A_206, %abs3A_200 : vector<8x2000xf32>
    %add3A_208 = arith.constant -0.212114394 : f32
    %add3A_209 = vector.broadcast %add3A_208 : f32 to vector<8x2000xf32>
    %add3A_210 = arith.addf %mul3A_207, %add3A_209 : vector<8x2000xf32>
    %mul3A_211 = arith.mulf %add3A_210, %abs3A_200 : vector<8x2000xf32>
    %add3A_212 = arith.constant 1.57072878 : f32
    %add3A_213 = vector.broadcast %add3A_212 : f32 to vector<8x2000xf32>
    %add3A_214 = arith.addf %mul3A_211, %add3A_213 : vector<8x2000xf32>
    %sub3A_215 = arith.constant 1.000000e+00 : f32
    %sub3A_216 = vector.broadcast %sub3A_215 : f32 to vector<8x2000xf32>
    %sub3A_217 = arith.subf %sub3A_216, %abs3A_200 : vector<8x2000xf32>
    %max3A_218 = arith.constant 0.000000e+00 : f32
    %max3A_219 = vector.broadcast %max3A_218 : f32 to vector<8x2000xf32>
    %max3A_220 = arith.maximumf %sub3A_217, %max3A_219 : vector<8x2000xf32>
    %sqrt3A_221 = math.sqrt %max3A_220 : vector<8x2000xf32>
    %mul3A_222 = arith.mulf %sqrt3A_221, %add3A_214 : vector<8x2000xf32>
    %ge3A_223 = arith.constant 0.000000e+00 : f32
    %ge3A_224 = vector.broadcast %ge3A_223 : f32 to vector<8x2000xf32>
    %ge3A_225 = arith.cmpf oge, %min3A_199, %ge3A_224 : vector<8x2000xf32>
    %sub3A_226 = arith.constant 3.14159274 : f32
    %sub3A_227 = vector.broadcast %sub3A_226 : f32 to vector<8x2000xf32>
    %sub3A_228 = arith.subf %sub3A_227, %mul3A_222 : vector<8x2000xf32>
    %select_n3A = arith.select %ge3A_225, %mul3A_222, %sub3A_228 : vector<8x2000xi1>, vector<8x2000xf32>
    %slice3A = vector.extract_strided_slice %select_n3A {offsets = [0, 0], sizes = [4, 2000], strides = [1, 1]} : vector<8x2000xf32> to vector<4x2000xf32>
    %slice3A_229 = vector.extract_strided_slice %select_n3A {offsets = [4, 0], sizes = [4, 2000], strides = [1, 1]} : vector<8x2000xf32> to vector<4x2000xf32>
    %min3A_230 = arith.minimumf %slice3A, %slice3A_229 : vector<4x2000xf32>
    %mul3A_231 = arith.mulf %min3A_230, %dot_general3A_150 : vector<4x2000xf32>
    %reduce_sum3A_232 = arith.constant dense<0.000000e+00> : vector<2000xf32>
    %reduce_sum3A_233 = vector.multi_reduction <add>, %mul3A_231, %reduce_sum3A_232 [0] : vector<4x2000xf32> to vector<2000xf32>
    %broadcast_in_dim3A_234 = vector.shape_cast %reduce_sum3A_233 : vector<2000xf32> to vector<1x2000xf32>
    %mul3A_235 = arith.constant 57.2957802 : f32
    %mul3A_236 = vector.broadcast %mul3A_235 : f32 to vector<1x2000xf32>
    %mul3A_237 = arith.mulf %broadcast_in_dim3A_234, %mul3A_236 : vector<1x2000xf32>
    %add3A_238 = arith.constant 9.99999993E-9 : f32
    %add3A_239 = vector.broadcast %add3A_238 : f32 to vector<1x2000xf32>
    %add3A_240 = arith.addf %broadcast_in_dim3A_173, %add3A_239 : vector<1x2000xf32>
    %div3A_241 = arith.divf %mul3A_237, %add3A_240 : vector<1x2000xf32>
    %broadcast_in_dim3A_242 = arith.constant 1.000000e+00 : f32
    %broadcast_in_dim3A_243 = vector.broadcast %broadcast_in_dim3A_242 : f32 to vector<1x2000xf32>
    %broadcast_in_dim3A_244 = arith.constant 0.000000e+00 : f32
    %broadcast_in_dim3A_245 = vector.broadcast %broadcast_in_dim3A_244 : f32 to vector<4x2000xf32>
    %concatenate3A_246 = tpu.concatenate %mul3A_100, %mul3A_118, %div3A, %div3A_241, %broadcast_in_dim3A_243, %broadcast_in_dim3A_245 in 0 : vector<8x2000xf32>, vector<1x2000xf32>, vector<1x2000xf32>, vector<1x2000xf32>, vector<1x2000xf32>, vector<4x2000xf32> -> vector<16x2000xf32>
    %get3A_247 = arith.constant 0 : index
    %get3A_248 = arith.constant 0 : index
    %get3A_249 = arith.constant 0 : index
    %get3A_250 = vector.load %arg11[%get3A_247, %get3A_248, %get3A_249] : memref<1x1x2000xi32, #tpu.memory_space<vmem>>, vector<1x1x2000xi32>
    %get3A_251 = vector.shape_cast %get3A_250 : vector<1x1x2000xi32> to vector<1x2000xi32>
    %get3A_252 = arith.constant 0 : index
    %get3A_253 = arith.constant 0 : index
    %get3A_254 = arith.constant 0 : index
    %get3A_255 = vector.load %arg11[%get3A_252, %get3A_253, %get3A_254] : memref<1x1x2000xi32, #tpu.memory_space<vmem>>, vector<1x1x1xi32>
    %get3A_256 = vector.extract %get3A_255[0, 0, 0] : i32 from vector<1x1x1xi32>
    %get3A_257 = arith.constant 0 : index
    %get3A_258 = arith.constant 0 : index
    %get3A_259 = arith.constant 1999 : index
    %get3A_260 = vector.load %arg11[%get3A_257, %get3A_258, %get3A_259] : memref<1x1x2000xi32, #tpu.memory_space<vmem>>, vector<1x1x1xi32>
    %get3A_261 = vector.extract %get3A_260[0, 0, 0] : i32 from vector<1x1x1xi32>
    %sub3A_262 = arith.subi %get3A_261, %get3A_256 : i32
    %jit3A_263 = arith.constant 32 : i32
    %div3A_264 = arith.divsi %sub3A_262, %jit3A_263 : i32
    %sign3A = arith.constant 0 : i32
    %sign3A_265 = arith.cmpi sgt, %sub3A_262, %sign3A : i32
    %sign3A_266 = arith.extui %sign3A_265 : i1 to i32
    %sign3A_267 = arith.constant 0 : i32
    %sign3A_268 = arith.cmpi slt, %sub3A_262, %sign3A_267 : i32
    %sign3A_269 = arith.extui %sign3A_268 : i1 to i32
    %sign3A_270 = arith.subi %sign3A_266, %sign3A_269 : i32
    %sign3A_271 = arith.constant 0 : i32
    %sign3A_272 = arith.cmpi sgt, %jit3A_263, %sign3A_271 : i32
    %sign3A_273 = arith.extui %sign3A_272 : i1 to i32
    %sign3A_274 = arith.constant 0 : i32
    %sign3A_275 = arith.cmpi slt, %jit3A_263, %sign3A_274 : i32
    %sign3A_276 = arith.extui %sign3A_275 : i1 to i32
    %sign3A_277 = arith.subi %sign3A_273, %sign3A_276 : i32
    %ne3A = arith.cmpi ne, %sign3A_270, %sign3A_277 : i32
    %rem3A = arith.remsi %sub3A_262, %jit3A_263 : i32
    %ne3A_278 = arith.constant 0 : i32
    %ne3A_279 = arith.cmpi ne, %rem3A, %ne3A_278 : i32
    %and3A = arith.andi %ne3A, %ne3A_279 : i1
    %sub3A_280 = arith.constant 1 : i32
    %sub3A_281 = arith.subi %div3A_264, %sub3A_280 : i32
    %select_n3A_282 = arith.select %and3A, %sub3A_281, %div3A_264 : i32
    %add3A_283 = arith.constant 1 : i32
    %add3A_284 = arith.addi %select_n3A_282, %add3A_283 : i32
    %while3A = arith.constant 0 : i32
    %while3A_285 = arith.constant 0 : i32
    %while3A_286 = arith.subi %add3A_284, %while3A : i32
    %while3A_287 = arith.addi %while3A, %while3A_286 : i32
    %while3A_288 = arith.constant 1 : i32
    %while3A_289 = arith.divsi %while3A_286, %while3A_288 : i32
    %while3A_290 = arith.muli %while3A_289, %while3A_288 : i32
    %while3A_291 = arith.addi %while3A, %while3A_290 : i32
    %while3A_292 = arith.constant 1 : i32
    %while3A_293 = scf.for %while3A_296 = %while3A to %while3A_291 step %while3A_292 iter_args(%while3A_297 = %while3A_285) -> (i32)  : i32 {
      %mul3A_298 = arith.constant 32 : i32
      %mul3A_299 = arith.muli %while3A_296, %mul3A_298 : i32
      %add3A_300 = arith.addi %get3A_256, %mul3A_299 : i32
      %iota3A_301 = tpu.iota {dimensions = array<i32: 0>} : vector<32x2000xi32>
      %add3A_302 = vector.broadcast %add3A_300 : i32 to vector<32x2000xi32>
      %add3A_303 = arith.addi %iota3A_301, %add3A_302 : vector<32x2000xi32>
      %eq3A_304 = vector.broadcast %get3A_251 : vector<1x2000xi32> to vector<32x2000xi32>
      %eq3A_305 = arith.cmpi eq, %add3A_303, %eq3A_304 : vector<32x2000xi32>
      %convert_element_type3A_306 = arith.extui %eq3A_305 : vector<32x2000xi1> to vector<32x2000xi32>
      %convert_element_type3A_307 = arith.sitofp %convert_element_type3A_306 : vector<32x2000xi32> to vector<32x2000xf32>
      %dot_general3A_308 = arith.constant dense<0.000000e+00> : vector<32x16xf32>
      %dot_general3A_309 = tpu.matmul %convert_element_type3A_307, %concatenate3A_246, %dot_general3A_308 {dimension_numbers = #tpu.dot_dimension_numbers<[1], [1], [0], [0], [0, 0, 1, 0], [], []>, transpose_lhs_hint = false} : vector<32x2000xf32>, vector<16x2000xf32>, vector<32x16xf32> -> vector<32x16xf32>
      %get3A_310 = arith.index_cast %add3A_300 : i32 to index
      %get3A_311 = arith.constant 0 : index
      %get3A_312 = vector.load %arg12[%get3A_310, %get3A_311] : memref<288x16xf32, #tpu.memory_space<vmem>>, vector<32x16xf32>
      %add3A_313 = arith.addf %get3A_312, %dot_general3A_309 : vector<32x16xf32>
      %swap3A = arith.index_cast %add3A_300 : i32 to index
      %swap3A_314 = arith.constant 0 : index
      %swap3A_315 = vector.load %arg12[%swap3A, %swap3A_314] : memref<288x16xf32, #tpu.memory_space<vmem>>, vector<32x16xf32>
      tpu.vector_store %arg12[%swap3A, %swap3A_314], %add3A_313 {strides = array<i32>} : memref<288x16xf32, #tpu.memory_space<vmem>>, vector<32x16xf32>,
      %while3A_316 = arith.constant 0 : i32
      scf.yield %while3A_316 : i32
    }
    %while3A_294 = arith.constant 1 : i32
    %while3A_295 = scf.for %while3A_296 = %while3A_291 to %while3A_287 step %while3A_294 iter_args(%while3A_297 = %while3A_293) -> (i32)  : i32 {
      %mul3A_298 = arith.constant 32 : i32
      %mul3A_299 = arith.muli %while3A_296, %mul3A_298 : i32
      %add3A_300 = arith.addi %get3A_256, %mul3A_299 : i32
      %iota3A_301 = tpu.iota {dimensions = array<i32: 0>} : vector<32x2000xi32>
      %add3A_302 = vector.broadcast %add3A_300 : i32 to vector<32x2000xi32>
      %add3A_303 = arith.addi %iota3A_301, %add3A_302 : vector<32x2000xi32>
      %eq3A_304 = vector.broadcast %get3A_251 : vector<1x2000xi32> to vector<32x2000xi32>
      %eq3A_305 = arith.cmpi eq, %add3A_303, %eq3A_304 : vector<32x2000xi32>
      %convert_element_type3A_306 = arith.extui %eq3A_305 : vector<32x2000xi1> to vector<32x2000xi32>
      %convert_element_type3A_307 = arith.sitofp %convert_element_type3A_306 : vector<32x2000xi32> to vector<32x2000xf32>
      %dot_general3A_308 = arith.constant dense<0.000000e+00> : vector<32x16xf32>
      %dot_general3A_309 = tpu.matmul %convert_element_type3A_307, %concatenate3A_246, %dot_general3A_308 {dimension_numbers = #tpu.dot_dimension_numbers<[1], [1], [0], [0], [0, 0, 1, 0], [], []>, transpose_lhs_hint = false} : vector<32x2000xf32>, vector<16x2000xf32>, vector<32x16xf32> -> vector<32x16xf32>
      %get3A_310 = arith.index_cast %add3A_300 : i32 to index
      %get3A_311 = arith.constant 0 : index
      %get3A_312 = vector.load %arg12[%get3A_310, %get3A_311] : memref<288x16xf32, #tpu.memory_space<vmem>>, vector<32x16xf32>
      %add3A_313 = arith.addf %get3A_312, %dot_general3A_309 : vector<32x16xf32>
      %swap3A = arith.index_cast %add3A_300 : i32 to index
      %swap3A_314 = arith.constant 0 : index
      %swap3A_315 = vector.load %arg12[%swap3A, %swap3A_314] : memref<288x16xf32, #tpu.memory_space<vmem>>, vector<32x16xf32>
      tpu.vector_store %arg12[%swap3A, %swap3A_314], %add3A_313 {strides = array<i32>} : memref<288x16xf32, #tpu.memory_space<vmem>>, vector<32x16xf32>,
      %while3A_316 = arith.constant 0 : i32
      scf.yield %while3A_316 : i32
    }
    return
  }
  func.func @transform_0(%arg0: i32) -> (i32, i32) {
    %c0_i32 = arith.constant 0 : i32
    %c0_i32_0 = arith.constant 0 : i32
    return %arg0, %c0_i32 : i32, i32
  }
  func.func @transform_1(%arg0: i32) -> (i32, i32) {
    %c0_i32 = arith.constant 0 : i32
    %c0_i32_0 = arith.constant 0 : i32
    return %arg0, %c0_i32 : i32, i32
  }
  func.func @transform_2(%arg0: i32) -> (i32, i32) {
    %c0_i32 = arith.constant 0 : i32
    %c0_i32_0 = arith.constant 0 : i32
    return %arg0, %c0_i32 : i32, i32
  }
  func.func @transform_3(%arg0: i32) -> (i32, i32) {
    %c0_i32 = arith.constant 0 : i32
    %c0_i32_0 = arith.constant 0 : i32
    return %arg0, %c0_i32 : i32, i32
  }
  func.func @transform_4(%arg0: i32) -> (i32, i32) {
    %c0_i32 = arith.constant 0 : i32
    %c0_i32_0 = arith.constant 0 : i32
    return %arg0, %c0_i32 : i32, i32
  }
  func.func @transform_5(%arg0: i32) -> (i32, i32) {
    %c0_i32 = arith.constant 0 : i32
    %c0_i32_0 = arith.constant 0 : i32
    return %arg0, %c0_i32 : i32, i32
  }
  func.func @transform_6(%arg0: i32) -> (i32, i32) {
    %c0_i32 = arith.constant 0 : i32
    %c0_i32_0 = arith.constant 0 : i32
    return %arg0, %c0_i32 : i32, i32
  }
  func.func @transform_7(%arg0: i32) -> (i32, i32) {
    %c0_i32 = arith.constant 0 : i32
    %c0_i32_0 = arith.constant 0 : i32
    return %arg0, %c0_i32 : i32, i32
  }
  func.func @transform_8(%arg0: i32) -> (i32, i32) {
    %c0_i32 = arith.constant 0 : i32
    %c0_i32_0 = arith.constant 0 : i32
    return %arg0, %c0_i32 : i32, i32
  }
  func.func @transform_9(%arg0: i32) -> (i32, i32) {
    %c0_i32 = arith.constant 0 : i32
    %c0_i32_0 = arith.constant 0 : i32
    return %arg0, %c0_i32 : i32, i32
  }
  func.func @transform_10(%arg0: i32) -> (i32, i32, i32) {
    %c0_i32 = arith.constant 0 : i32
    %c0_i32_0 = arith.constant 0 : i32
    %c0_i32_1 = arith.constant 0 : i32
    return %arg0, %c0_i32, %c0_i32_0 : i32, i32, i32
  }
  func.func @transform_11(%arg0: i32) -> (i32, i32) {
    %c0_i32 = arith.constant 0 : i32
    %c0_i32_0 = arith.constant 0 : i32
    %c0_i32_1 = arith.constant 0 : i32
    return %c0_i32, %c0_i32_0 : i32, i32
  }
}

module attributes {stable_mosaic.version = 14 : i64} {
  func.func @_coor_kernel(%arg0: i32, %arg1: memref<2000x32xf32, #tpu.memory_space<vmem>>, %arg2: memref<1x1x2000xi32, #tpu.memory_space<vmem>>, %arg3: memref<4128x16xf32, #tpu.memory_space<vmem>>) attributes {dimension_semantics = [#tpu.dimension_semantics<arbitrary>], iteration_bounds = array<i64: 200>, scalar_prefetch = 0 : i64, scratch_operands = 0 : i64, tpu.core_type = #tpu.core_type<tc>, window_params = [{transform_indices = @transform_0, window_bounds = array<i64: 2000, 32>}, {transform_indices = @transform_1, window_bounds = array<i64: 1, 1, 2000>}, {pipeline_mode = #tpu.pipeline_mode<synchronous>, transform_indices = @transform_2, window_bounds = array<i64: 4128, 16>}]} {
    %eq3A = arith.constant 0 : i32
    %eq3A_0 = arith.cmpi eq, %arg0, %eq3A : i32
    %convert_element_type3A = arith.extui %eq3A_0 : i1 to i32
    %cond3A = arith.constant 0 : i32
    %cond3A_1 = arith.cmpi ne, %convert_element_type3A, %cond3A : i32
    scf.if %cond3A_1 {
      %broadcast_in_dim3A_76 = arith.constant 0.000000e+00 : f32
      %broadcast_in_dim3A_77 = vector.broadcast %broadcast_in_dim3A_76 : f32 to vector<4128x16xf32>
      %swap3A = arith.constant 0 : index
      %swap3A_78 = arith.constant 0 : index
      %swap3A_79 = vector.load %arg3[%swap3A, %swap3A_78] : memref<4128x16xf32, #tpu.memory_space<vmem>>, vector<4128x16xf32>
      tpu.vector_store %arg3[%swap3A, %swap3A_78], %broadcast_in_dim3A_77 {strides = array<i32>} : memref<4128x16xf32, #tpu.memory_space<vmem>>, vector<4128x16xf32>,
    } else {
    }
    %iota3A = tpu.iota {dimensions = array<i32: 0>} : vector<8x32xi32>
    %iota3A_2 = tpu.iota {dimensions = array<i32: 1>} : vector<8x32xi32>
    %mul3A = arith.constant 3 : i32
    %mul3A_3 = vector.broadcast %mul3A : i32 to vector<8x32xi32>
    %mul3A_4 = arith.muli %mul3A_3, %iota3A : vector<8x32xi32>
    %ge3A = arith.cmpi sge, %iota3A_2, %mul3A_4 : vector<8x32xi32>
    %mul3A_5 = arith.constant 3 : i32
    %mul3A_6 = vector.broadcast %mul3A_5 : i32 to vector<8x32xi32>
    %mul3A_7 = arith.muli %mul3A_6, %iota3A : vector<8x32xi32>
    %add3A = arith.constant 3 : i32
    %add3A_8 = vector.broadcast %add3A : i32 to vector<8x32xi32>
    %add3A_9 = arith.addi %mul3A_7, %add3A_8 : vector<8x32xi32>
    %lt3A = arith.cmpi slt, %iota3A_2, %add3A_9 : vector<8x32xi32>
    %and3A = arith.andi %ge3A, %lt3A : vector<8x32xi1>
    %convert_element_type3A_10 = arith.extui %and3A : vector<8x32xi1> to vector<8x32xi32>
    %convert_element_type3A_11 = arith.sitofp %convert_element_type3A_10 : vector<8x32xi32> to vector<8x32xf32>
    %get3A = arith.constant 0 : index
    %get3A_12 = arith.constant 0 : index
    %get3A_13 = vector.load %arg1[%get3A, %get3A_12] : memref<2000x32xf32, #tpu.memory_space<vmem>>, vector<2000x32xf32>
    %dot_general3A = arith.constant dense<0.000000e+00> : vector<8x2000xf32>
    %dot_general3A_14 = tpu.matmul %convert_element_type3A_11, %get3A_13, %dot_general3A {dimension_numbers = #tpu.dot_dimension_numbers<[1], [1], [0], [0], [0, 0, 1, 0], [], []>, transpose_lhs_hint = false} : vector<8x32xf32>, vector<2000x32xf32>, vector<8x2000xf32> -> vector<8x2000xf32>
    %sqrt3A = math.sqrt %dot_general3A_14 : vector<8x2000xf32>
    %min3A = arith.constant 2.000000e+00 : f32
    %min3A_15 = vector.broadcast %min3A : f32 to vector<8x2000xf32>
    %min3A_16 = arith.minimumf %sqrt3A, %min3A_15 : vector<8x2000xf32>
    %mul3A_17 = arith.constant 8.000000e-01 : f32
    %mul3A_18 = vector.broadcast %mul3A_17 : f32 to vector<8x2000xf32>
    %mul3A_19 = arith.mulf %min3A_16, %mul3A_18 : vector<8x2000xf32>
    %mul3A_20 = arith.constant 2.000000e-01 : f32
    %mul3A_21 = vector.broadcast %mul3A_20 : f32 to vector<8x2000xf32>
    %mul3A_22 = arith.mulf %sqrt3A, %mul3A_21 : vector<8x2000xf32>
    %add3A_23 = arith.addf %mul3A_19, %mul3A_22 : vector<8x2000xf32>
    %slice3A = vector.extract_strided_slice %dot_general3A_14 {offsets = [7, 0], sizes = [1, 2000], strides = [1, 1]} : vector<8x2000xf32> to vector<1x2000xf32>
    %mul3A_24 = arith.constant 1.000000e+02 : f32
    %mul3A_25 = vector.broadcast %mul3A_24 : f32 to vector<1x2000xf32>
    %mul3A_26 = arith.mulf %slice3A, %mul3A_25 : vector<1x2000xf32>
    %broadcast_in_dim3A = arith.constant 1.000000e+00 : f32
    %broadcast_in_dim3A_27 = vector.broadcast %broadcast_in_dim3A : f32 to vector<1x2000xf32>
    %broadcast_in_dim3A_28 = arith.constant 0.000000e+00 : f32
    %broadcast_in_dim3A_29 = vector.broadcast %broadcast_in_dim3A_28 : f32 to vector<6x2000xf32>
    %concatenate3A = tpu.concatenate %add3A_23, %mul3A_26, %broadcast_in_dim3A_27, %broadcast_in_dim3A_29 in 0 : vector<8x2000xf32>, vector<1x2000xf32>, vector<1x2000xf32>, vector<6x2000xf32> -> vector<16x2000xf32>
    %get3A_30 = arith.constant 0 : index
    %get3A_31 = arith.constant 0 : index
    %get3A_32 = arith.constant 0 : index
    %get3A_33 = vector.load %arg2[%get3A_30, %get3A_31, %get3A_32] : memref<1x1x2000xi32, #tpu.memory_space<vmem>>, vector<1x1x2000xi32>
    %get3A_34 = vector.shape_cast %get3A_33 : vector<1x1x2000xi32> to vector<1x2000xi32>
    %get3A_35 = arith.constant 0 : index
    %get3A_36 = arith.constant 0 : index
    %get3A_37 = arith.constant 0 : index
    %get3A_38 = vector.load %arg2[%get3A_35, %get3A_36, %get3A_37] : memref<1x1x2000xi32, #tpu.memory_space<vmem>>, vector<1x1x1xi32>
    %get3A_39 = vector.extract %get3A_38[0, 0, 0] : i32 from vector<1x1x1xi32>
    %get3A_40 = arith.constant 0 : index
    %get3A_41 = arith.constant 0 : index
    %get3A_42 = arith.constant 1999 : index
    %get3A_43 = vector.load %arg2[%get3A_40, %get3A_41, %get3A_42] : memref<1x1x2000xi32, #tpu.memory_space<vmem>>, vector<1x1x1xi32>
    %get3A_44 = vector.extract %get3A_43[0, 0, 0] : i32 from vector<1x1x1xi32>
    %sub3A = arith.subi %get3A_44, %get3A_39 : i32
    %jit3A = arith.constant 32 : i32
    %div3A = arith.divsi %sub3A, %jit3A : i32
    %sign3A = arith.constant 0 : i32
    %sign3A_45 = arith.cmpi sgt, %sub3A, %sign3A : i32
    %sign3A_46 = arith.extui %sign3A_45 : i1 to i32
    %sign3A_47 = arith.constant 0 : i32
    %sign3A_48 = arith.cmpi slt, %sub3A, %sign3A_47 : i32
    %sign3A_49 = arith.extui %sign3A_48 : i1 to i32
    %sign3A_50 = arith.subi %sign3A_46, %sign3A_49 : i32
    %sign3A_51 = arith.constant 0 : i32
    %sign3A_52 = arith.cmpi sgt, %jit3A, %sign3A_51 : i32
    %sign3A_53 = arith.extui %sign3A_52 : i1 to i32
    %sign3A_54 = arith.constant 0 : i32
    %sign3A_55 = arith.cmpi slt, %jit3A, %sign3A_54 : i32
    %sign3A_56 = arith.extui %sign3A_55 : i1 to i32
    %sign3A_57 = arith.subi %sign3A_53, %sign3A_56 : i32
    %ne3A = arith.cmpi ne, %sign3A_50, %sign3A_57 : i32
    %rem3A = arith.remsi %sub3A, %jit3A : i32
    %ne3A_58 = arith.constant 0 : i32
    %ne3A_59 = arith.cmpi ne, %rem3A, %ne3A_58 : i32
    %and3A_60 = arith.andi %ne3A, %ne3A_59 : i1
    %sub3A_61 = arith.constant 1 : i32
    %sub3A_62 = arith.subi %div3A, %sub3A_61 : i32
    %select_n3A = arith.select %and3A_60, %sub3A_62, %div3A : i32
    %add3A_63 = arith.constant 1 : i32
    %add3A_64 = arith.addi %select_n3A, %add3A_63 : i32
    %while3A = arith.constant 0 : i32
    %while3A_65 = arith.constant 0 : i32
    %while3A_66 = arith.subi %add3A_64, %while3A : i32
    %while3A_67 = arith.addi %while3A, %while3A_66 : i32
    %while3A_68 = arith.constant 1 : i32
    %while3A_69 = arith.divsi %while3A_66, %while3A_68 : i32
    %while3A_70 = arith.muli %while3A_69, %while3A_68 : i32
    %while3A_71 = arith.addi %while3A, %while3A_70 : i32
    %while3A_72 = arith.constant 1 : i32
    %while3A_73 = scf.for %while3A_76 = %while3A to %while3A_71 step %while3A_72 iter_args(%while3A_77 = %while3A_65) -> (i32)  : i32 {
      %mul3A_78 = arith.constant 32 : i32
      %mul3A_79 = arith.muli %while3A_76, %mul3A_78 : i32
      %add3A_80 = arith.addi %get3A_39, %mul3A_79 : i32
      %iota3A_81 = tpu.iota {dimensions = array<i32: 0>} : vector<32x2000xi32>
      %add3A_82 = vector.broadcast %add3A_80 : i32 to vector<32x2000xi32>
      %add3A_83 = arith.addi %iota3A_81, %add3A_82 : vector<32x2000xi32>
      %eq3A_84 = vector.broadcast %get3A_34 : vector<1x2000xi32> to vector<32x2000xi32>
      %eq3A_85 = arith.cmpi eq, %add3A_83, %eq3A_84 : vector<32x2000xi32>
      %convert_element_type3A_86 = arith.extui %eq3A_85 : vector<32x2000xi1> to vector<32x2000xi32>
      %convert_element_type3A_87 = arith.sitofp %convert_element_type3A_86 : vector<32x2000xi32> to vector<32x2000xf32>
      %dot_general3A_88 = arith.constant dense<0.000000e+00> : vector<32x16xf32>
      %dot_general3A_89 = tpu.matmul %convert_element_type3A_87, %concatenate3A, %dot_general3A_88 {dimension_numbers = #tpu.dot_dimension_numbers<[1], [1], [0], [0], [0, 0, 1, 0], [], []>, transpose_lhs_hint = false} : vector<32x2000xf32>, vector<16x2000xf32>, vector<32x16xf32> -> vector<32x16xf32>
      %get3A_90 = arith.index_cast %add3A_80 : i32 to index
      %get3A_91 = arith.constant 0 : index
      %get3A_92 = vector.load %arg3[%get3A_90, %get3A_91] : memref<4128x16xf32, #tpu.memory_space<vmem>>, vector<32x16xf32>
      %add3A_93 = arith.addf %get3A_92, %dot_general3A_89 : vector<32x16xf32>
      %swap3A = arith.index_cast %add3A_80 : i32 to index
      %swap3A_94 = arith.constant 0 : index
      %swap3A_95 = vector.load %arg3[%swap3A, %swap3A_94] : memref<4128x16xf32, #tpu.memory_space<vmem>>, vector<32x16xf32>
      tpu.vector_store %arg3[%swap3A, %swap3A_94], %add3A_93 {strides = array<i32>} : memref<4128x16xf32, #tpu.memory_space<vmem>>, vector<32x16xf32>,
      %while3A_96 = arith.constant 0 : i32
      scf.yield %while3A_96 : i32
    }
    %while3A_74 = arith.constant 1 : i32
    %while3A_75 = scf.for %while3A_76 = %while3A_71 to %while3A_67 step %while3A_74 iter_args(%while3A_77 = %while3A_73) -> (i32)  : i32 {
      %mul3A_78 = arith.constant 32 : i32
      %mul3A_79 = arith.muli %while3A_76, %mul3A_78 : i32
      %add3A_80 = arith.addi %get3A_39, %mul3A_79 : i32
      %iota3A_81 = tpu.iota {dimensions = array<i32: 0>} : vector<32x2000xi32>
      %add3A_82 = vector.broadcast %add3A_80 : i32 to vector<32x2000xi32>
      %add3A_83 = arith.addi %iota3A_81, %add3A_82 : vector<32x2000xi32>
      %eq3A_84 = vector.broadcast %get3A_34 : vector<1x2000xi32> to vector<32x2000xi32>
      %eq3A_85 = arith.cmpi eq, %add3A_83, %eq3A_84 : vector<32x2000xi32>
      %convert_element_type3A_86 = arith.extui %eq3A_85 : vector<32x2000xi1> to vector<32x2000xi32>
      %convert_element_type3A_87 = arith.sitofp %convert_element_type3A_86 : vector<32x2000xi32> to vector<32x2000xf32>
      %dot_general3A_88 = arith.constant dense<0.000000e+00> : vector<32x16xf32>
      %dot_general3A_89 = tpu.matmul %convert_element_type3A_87, %concatenate3A, %dot_general3A_88 {dimension_numbers = #tpu.dot_dimension_numbers<[1], [1], [0], [0], [0, 0, 1, 0], [], []>, transpose_lhs_hint = false} : vector<32x2000xf32>, vector<16x2000xf32>, vector<32x16xf32> -> vector<32x16xf32>
      %get3A_90 = arith.index_cast %add3A_80 : i32 to index
      %get3A_91 = arith.constant 0 : index
      %get3A_92 = vector.load %arg3[%get3A_90, %get3A_91] : memref<4128x16xf32, #tpu.memory_space<vmem>>, vector<32x16xf32>
      %add3A_93 = arith.addf %get3A_92, %dot_general3A_89 : vector<32x16xf32>
      %swap3A = arith.index_cast %add3A_80 : i32 to index
      %swap3A_94 = arith.constant 0 : index
      %swap3A_95 = vector.load %arg3[%swap3A, %swap3A_94] : memref<4128x16xf32, #tpu.memory_space<vmem>>, vector<32x16xf32>
      tpu.vector_store %arg3[%swap3A, %swap3A_94], %add3A_93 {strides = array<i32>} : memref<4128x16xf32, #tpu.memory_space<vmem>>, vector<32x16xf32>,
      %while3A_96 = arith.constant 0 : i32
      scf.yield %while3A_96 : i32
    }
    return
  }
  func.func @transform_0(%arg0: i32) -> (i32, i32) {
    %c0_i32 = arith.constant 0 : i32
    %c0_i32_0 = arith.constant 0 : i32
    return %arg0, %c0_i32 : i32, i32
  }
  func.func @transform_1(%arg0: i32) -> (i32, i32, i32) {
    %c0_i32 = arith.constant 0 : i32
    %c0_i32_0 = arith.constant 0 : i32
    %c0_i32_1 = arith.constant 0 : i32
    return %arg0, %c0_i32, %c0_i32_0 : i32, i32, i32
  }
  func.func @transform_2(%arg0: i32) -> (i32, i32) {
    %c0_i32 = arith.constant 0 : i32
    %c0_i32_0 = arith.constant 0 : i32
    %c0_i32_1 = arith.constant 0 : i32
    return %c0_i32, %c0_i32_0 : i32, i32
  }
}

module attributes {stable_mosaic.version = 14 : i64} {
  func.func @_combine_kernel(%arg0: memref<288x16xf32, #tpu.memory_space<vmem>>, %arg1: memref<4128x16xf32, #tpu.memory_space<vmem>>, %arg2: memref<1x256xf32, #tpu.memory_space<vmem>>, %arg3: memref<1x256xf32, #tpu.memory_space<vmem>>, %arg4: memref<1x256xf32, #tpu.memory_space<vmem>>, %arg5: memref<1x256xf32, #tpu.memory_space<vmem>>, %arg6: memref<4096x1xi32, #tpu.memory_space<vmem>>, %arg7: memref<1x16xf32, #tpu.memory_space<vmem>>) attributes {dimension_semantics = [], scalar_prefetch = 0 : i64, scratch_operands = 0 : i64, tpu.core_type = #tpu.core_type<tc>} {
    %get3A = arith.constant 0 : index
    %get3A_0 = arith.constant 0 : index
    %get3A_1 = vector.load %arg0[%get3A, %get3A_0] : memref<288x16xf32, #tpu.memory_space<vmem>>, vector<288x16xf32>
    %slice3A = vector.extract_strided_slice %get3A_1 {offsets = [0, 0], sizes = [256, 16], strides = [1, 1]} : vector<288x16xf32> to vector<256x16xf32>
    %slice3A_2 = vector.extract_strided_slice %slice3A {offsets = [0, 11], sizes = [256, 1], strides = [1, 1]} : vector<256x16xf32> to vector<256x1xf32>
    %max3A = arith.constant 1.000000e+00 : f32
    %max3A_3 = vector.broadcast %max3A : f32 to vector<256x1xf32>
    %max3A_4 = arith.maximumf %slice3A_2, %max3A_3 : vector<256x1xf32>
    %slice3A_5 = vector.extract_strided_slice %slice3A {offsets = [0, 0], sizes = [256, 8], strides = [1, 1]} : vector<256x16xf32> to vector<256x8xf32>
    %div3A = vector.broadcast %max3A_4 : vector<256x1xf32> to vector<256x8xf32>
    %div3A_6 = arith.divf %slice3A_5, %div3A : vector<256x8xf32>
    %slice3A_7 = vector.extract_strided_slice %div3A_6 {offsets = [0, 0], sizes = [256, 7], strides = [1, 1]} : vector<256x8xf32> to vector<256x7xf32>
    %reduce_sum3A = arith.constant dense<0.000000e+00> : vector<256xf32>
    %reduce_sum3A_8 = vector.multi_reduction <add>, %slice3A_7, %reduce_sum3A [1] : vector<256x7xf32> to vector<256xf32>
    %broadcast_in_dim3A = vector.shape_cast %reduce_sum3A_8 : vector<256xf32> to vector<256x1xf32>
    %div3A_9 = arith.constant 7.000000e+00 : f32
    %div3A_10 = vector.broadcast %div3A_9 : f32 to vector<256x1xf32>
    %div3A_11 = arith.divf %broadcast_in_dim3A, %div3A_10 : vector<256x1xf32>
    %slice3A_12 = vector.extract_strided_slice %div3A_6 {offsets = [0, 7], sizes = [256, 1], strides = [1, 1]} : vector<256x8xf32> to vector<256x1xf32>
    %add3A = arith.addf %div3A_11, %slice3A_12 : vector<256x1xf32>
    %reduce_sum3A_13 = vector.shape_cast %add3A : vector<256x1xf32> to vector<1x256x1xf32>
    %reduce_sum3A_14 = arith.constant dense<0.000000e+00> : vector<1xf32>
    %reduce_sum3A_15 = vector.multi_reduction <add>, %reduce_sum3A_13, %reduce_sum3A_14 [1, 2] : vector<1x256x1xf32> to vector<1xf32>
    %reduce_sum3A_16 = vector.shape_cast %reduce_sum3A_15 : vector<1xf32> to vector<1x1x1xf32>
    %reduce_sum3A_17 = vector.extract %reduce_sum3A_16[0, 0, 0] : f32 from vector<1x1x1xf32>
    %div3A_18 = arith.constant 2.560000e+02 : f32
    %div3A_19 = arith.divf %reduce_sum3A_17, %div3A_18 : f32
    %slice3A_20 = vector.extract_strided_slice %slice3A {offsets = [0, 8], sizes = [256, 1], strides = [1, 1]} : vector<256x16xf32> to vector<256x1xf32>
    %div3A_21 = arith.divf %slice3A_20, %max3A_4 : vector<256x1xf32>
    %reduce_sum3A_22 = vector.shape_cast %div3A_21 : vector<256x1xf32> to vector<1x256x1xf32>
    %reduce_sum3A_23 = arith.constant dense<0.000000e+00> : vector<1xf32>
    %reduce_sum3A_24 = vector.multi_reduction <add>, %reduce_sum3A_22, %reduce_sum3A_23 [1, 2] : vector<1x256x1xf32> to vector<1xf32>
    %reduce_sum3A_25 = vector.shape_cast %reduce_sum3A_24 : vector<1xf32> to vector<1x1x1xf32>
    %reduce_sum3A_26 = vector.extract %reduce_sum3A_25[0, 0, 0] : f32 from vector<1x1x1xf32>
    %div3A_27 = arith.constant 2.560000e+02 : f32
    %div3A_28 = arith.divf %reduce_sum3A_26, %div3A_27 : f32
    %slice3A_29 = vector.extract_strided_slice %slice3A {offsets = [0, 9], sizes = [256, 1], strides = [1, 1]} : vector<256x16xf32> to vector<256x1xf32>
    %div3A_30 = arith.divf %slice3A_29, %max3A_4 : vector<256x1xf32>
    %reduce_sum3A_31 = vector.shape_cast %div3A_30 : vector<256x1xf32> to vector<1x256x1xf32>
    %reduce_sum3A_32 = arith.constant dense<0.000000e+00> : vector<1xf32>
    %reduce_sum3A_33 = vector.multi_reduction <add>, %reduce_sum3A_31, %reduce_sum3A_32 [1, 2] : vector<1x256x1xf32> to vector<1xf32>
    %reduce_sum3A_34 = vector.shape_cast %reduce_sum3A_33 : vector<1xf32> to vector<1x1x1xf32>
    %reduce_sum3A_35 = vector.extract %reduce_sum3A_34[0, 0, 0] : f32 from vector<1x1x1xf32>
    %div3A_36 = arith.constant 2.560000e+02 : f32
    %div3A_37 = arith.divf %reduce_sum3A_35, %div3A_36 : f32
    %slice3A_38 = vector.extract_strided_slice %slice3A {offsets = [0, 10], sizes = [256, 1], strides = [1, 1]} : vector<256x16xf32> to vector<256x1xf32>
    %div3A_39 = arith.divf %slice3A_38, %max3A_4 : vector<256x1xf32>
    %reduce_sum3A_40 = vector.shape_cast %div3A_39 : vector<256x1xf32> to vector<1x256x1xf32>
    %reduce_sum3A_41 = arith.constant dense<0.000000e+00> : vector<1xf32>
    %reduce_sum3A_42 = vector.multi_reduction <add>, %reduce_sum3A_40, %reduce_sum3A_41 [1, 2] : vector<1x256x1xf32> to vector<1xf32>
    %reduce_sum3A_43 = vector.shape_cast %reduce_sum3A_42 : vector<1xf32> to vector<1x1x1xf32>
    %reduce_sum3A_44 = vector.extract %reduce_sum3A_43[0, 0, 0] : f32 from vector<1x1x1xf32>
    %div3A_45 = arith.constant 2.560000e+02 : f32
    %div3A_46 = arith.divf %reduce_sum3A_44, %div3A_45 : f32
    %get3A_47 = arith.constant 0 : index
    %get3A_48 = arith.constant 0 : index
    %get3A_49 = vector.load %arg2[%get3A_47, %get3A_48] : memref<1x256xf32, #tpu.memory_space<vmem>>, vector<1x256xf32>
    %get3A_50 = arith.constant 0 : index
    %get3A_51 = arith.constant 0 : index
    %get3A_52 = vector.load %arg3[%get3A_50, %get3A_51] : memref<1x256xf32, #tpu.memory_space<vmem>>, vector<1x256xf32>
    %sub3A = arith.subf %get3A_49, %get3A_52 : vector<1x256xf32>
    %mul3A = arith.mulf %sub3A, %sub3A : vector<1x256xf32>
    %get3A_53 = arith.constant 0 : index
    %get3A_54 = arith.constant 0 : index
    %get3A_55 = vector.load %arg4[%get3A_53, %get3A_54] : memref<1x256xf32, #tpu.memory_space<vmem>>, vector<1x256xf32>
    %mul3A_56 = arith.mulf %mul3A, %get3A_55 : vector<1x256xf32>
    %reduce_sum3A_57 = vector.shape_cast %mul3A_56 : vector<1x256xf32> to vector<1x1x256xf32>
    %reduce_sum3A_58 = arith.constant dense<0.000000e+00> : vector<1xf32>
    %reduce_sum3A_59 = vector.multi_reduction <add>, %reduce_sum3A_57, %reduce_sum3A_58 [1, 2] : vector<1x1x256xf32> to vector<1xf32>
    %reduce_sum3A_60 = vector.shape_cast %reduce_sum3A_59 : vector<1xf32> to vector<1x1x1xf32>
    %reduce_sum3A_61 = vector.extract %reduce_sum3A_60[0, 0, 0] : f32 from vector<1x1x1xf32>
    %div3A_62 = arith.constant 2.560000e+02 : f32
    %div3A_63 = arith.divf %reduce_sum3A_61, %div3A_62 : f32
    %get3A_64 = arith.constant 0 : index
    %get3A_65 = arith.constant 0 : index
    %get3A_66 = vector.load %arg1[%get3A_64, %get3A_65] : memref<4128x16xf32, #tpu.memory_space<vmem>>, vector<4128x16xf32>
    %slice3A_67 = vector.extract_strided_slice %get3A_66 {offsets = [0, 0], sizes = [4096, 16], strides = [1, 1]} : vector<4128x16xf32> to vector<4096x16xf32>
    %slice3A_68 = vector.extract_strided_slice %slice3A_67 {offsets = [0, 9], sizes = [4096, 1], strides = [1, 1]} : vector<4096x16xf32> to vector<4096x1xf32>
    %max3A_69 = arith.constant 1.000000e+00 : f32
    %max3A_70 = vector.broadcast %max3A_69 : f32 to vector<4096x1xf32>
    %max3A_71 = arith.maximumf %slice3A_68, %max3A_70 : vector<4096x1xf32>
    %slice3A_72 = vector.extract_strided_slice %slice3A_67 {offsets = [0, 0], sizes = [4096, 8], strides = [1, 1]} : vector<4096x16xf32> to vector<4096x8xf32>
    %div3A_73 = vector.broadcast %max3A_71 : vector<4096x1xf32> to vector<4096x8xf32>
    %div3A_74 = arith.divf %slice3A_72, %div3A_73 : vector<4096x8xf32>
    %slice3A_75 = vector.extract_strided_slice %slice3A_67 {offsets = [0, 8], sizes = [4096, 1], strides = [1, 1]} : vector<4096x16xf32> to vector<4096x1xf32>
    %get3A_76 = arith.constant 0 : index
    %get3A_77 = arith.constant 0 : index
    %get3A_78 = vector.load %arg6[%get3A_76, %get3A_77] : memref<4096x1xi32, #tpu.memory_space<vmem>>, vector<4096x1xi32>
    %iota3A = tpu.iota {dimensions = array<i32: 1>} : vector<1x256xi32>
    %eq3A = vector.broadcast %get3A_78 : vector<4096x1xi32> to vector<4096x256xi32>
    %eq3A_79 = vector.broadcast %iota3A : vector<1x256xi32> to vector<4096x256xi32>
    %eq3A_80 = arith.cmpi eq, %eq3A, %eq3A_79 : vector<4096x256xi32>
    %slice3A_81 = vector.extract_strided_slice %div3A_74 {offsets = [0, 0], sizes = [4096, 1], strides = [1, 1]} : vector<4096x8xf32> to vector<4096x1xf32>
    %jit3A = arith.constant 0x7F800000 : f32
    %broadcast_in_dim3A_82 = vector.shape_cast %slice3A_81 : vector<4096x1xf32> to vector<4096x1xf32>
    %broadcast_in_dim3A_83 = vector.broadcast %broadcast_in_dim3A_82 : vector<4096x1xf32> to vector<4096x256xf32>
    %broadcast_in_dim3A_84 = vector.broadcast %jit3A : f32 to vector<4096x256xf32>
    %select_n3A = arith.select %eq3A_80, %broadcast_in_dim3A_83, %broadcast_in_dim3A_84 : vector<4096x256xi1>, vector<4096x256xf32>
    %reduce_min3A = arith.constant dense<0x7F800000> : vector<256xf32>
    %reduce_min3A_85 = vector.multi_reduction <minimumf>, %select_n3A, %reduce_min3A [0] : vector<4096x256xf32> to vector<256xf32>
    %broadcast_in_dim3A_86 = vector.shape_cast %reduce_min3A_85 : vector<256xf32> to vector<1x256xf32>
    %slice3A_87 = vector.extract_strided_slice %div3A_74 {offsets = [0, 1], sizes = [4096, 1], strides = [1, 1]} : vector<4096x8xf32> to vector<4096x1xf32>
    %jit3A_88 = arith.constant 0x7F800000 : f32
    %broadcast_in_dim3A_89 = vector.shape_cast %slice3A_87 : vector<4096x1xf32> to vector<4096x1xf32>
    %broadcast_in_dim3A_90 = vector.broadcast %broadcast_in_dim3A_89 : vector<4096x1xf32> to vector<4096x256xf32>
    %broadcast_in_dim3A_91 = vector.broadcast %jit3A_88 : f32 to vector<4096x256xf32>
    %select_n3A_92 = arith.select %eq3A_80, %broadcast_in_dim3A_90, %broadcast_in_dim3A_91 : vector<4096x256xi1>, vector<4096x256xf32>
    %reduce_min3A_93 = arith.constant dense<0x7F800000> : vector<256xf32>
    %reduce_min3A_94 = vector.multi_reduction <minimumf>, %select_n3A_92, %reduce_min3A_93 [0] : vector<4096x256xf32> to vector<256xf32>
    %broadcast_in_dim3A_95 = vector.shape_cast %reduce_min3A_94 : vector<256xf32> to vector<1x256xf32>
    %slice3A_96 = vector.extract_strided_slice %div3A_74 {offsets = [0, 2], sizes = [4096, 1], strides = [1, 1]} : vector<4096x8xf32> to vector<4096x1xf32>
    %jit3A_97 = arith.constant 0x7F800000 : f32
    %broadcast_in_dim3A_98 = vector.shape_cast %slice3A_96 : vector<4096x1xf32> to vector<4096x1xf32>
    %broadcast_in_dim3A_99 = vector.broadcast %broadcast_in_dim3A_98 : vector<4096x1xf32> to vector<4096x256xf32>
    %broadcast_in_dim3A_100 = vector.broadcast %jit3A_97 : f32 to vector<4096x256xf32>
    %select_n3A_101 = arith.select %eq3A_80, %broadcast_in_dim3A_99, %broadcast_in_dim3A_100 : vector<4096x256xi1>, vector<4096x256xf32>
    %reduce_min3A_102 = arith.constant dense<0x7F800000> : vector<256xf32>
    %reduce_min3A_103 = vector.multi_reduction <minimumf>, %select_n3A_101, %reduce_min3A_102 [0] : vector<4096x256xf32> to vector<256xf32>
    %broadcast_in_dim3A_104 = vector.shape_cast %reduce_min3A_103 : vector<256xf32> to vector<1x256xf32>
    %slice3A_105 = vector.extract_strided_slice %div3A_74 {offsets = [0, 3], sizes = [4096, 1], strides = [1, 1]} : vector<4096x8xf32> to vector<4096x1xf32>
    %jit3A_106 = arith.constant 0x7F800000 : f32
    %broadcast_in_dim3A_107 = vector.shape_cast %slice3A_105 : vector<4096x1xf32> to vector<4096x1xf32>
    %broadcast_in_dim3A_108 = vector.broadcast %broadcast_in_dim3A_107 : vector<4096x1xf32> to vector<4096x256xf32>
    %broadcast_in_dim3A_109 = vector.broadcast %jit3A_106 : f32 to vector<4096x256xf32>
    %select_n3A_110 = arith.select %eq3A_80, %broadcast_in_dim3A_108, %broadcast_in_dim3A_109 : vector<4096x256xi1>, vector<4096x256xf32>
    %reduce_min3A_111 = arith.constant dense<0x7F800000> : vector<256xf32>
    %reduce_min3A_112 = vector.multi_reduction <minimumf>, %select_n3A_110, %reduce_min3A_111 [0] : vector<4096x256xf32> to vector<256xf32>
    %broadcast_in_dim3A_113 = vector.shape_cast %reduce_min3A_112 : vector<256xf32> to vector<1x256xf32>
    %slice3A_114 = vector.extract_strided_slice %div3A_74 {offsets = [0, 4], sizes = [4096, 1], strides = [1, 1]} : vector<4096x8xf32> to vector<4096x1xf32>
    %jit3A_115 = arith.constant 0x7F800000 : f32
    %broadcast_in_dim3A_116 = vector.shape_cast %slice3A_114 : vector<4096x1xf32> to vector<4096x1xf32>
    %broadcast_in_dim3A_117 = vector.broadcast %broadcast_in_dim3A_116 : vector<4096x1xf32> to vector<4096x256xf32>
    %broadcast_in_dim3A_118 = vector.broadcast %jit3A_115 : f32 to vector<4096x256xf32>
    %select_n3A_119 = arith.select %eq3A_80, %broadcast_in_dim3A_117, %broadcast_in_dim3A_118 : vector<4096x256xi1>, vector<4096x256xf32>
    %reduce_min3A_120 = arith.constant dense<0x7F800000> : vector<256xf32>
    %reduce_min3A_121 = vector.multi_reduction <minimumf>, %select_n3A_119, %reduce_min3A_120 [0] : vector<4096x256xf32> to vector<256xf32>
    %broadcast_in_dim3A_122 = vector.shape_cast %reduce_min3A_121 : vector<256xf32> to vector<1x256xf32>
    %slice3A_123 = vector.extract_strided_slice %div3A_74 {offsets = [0, 5], sizes = [4096, 1], strides = [1, 1]} : vector<4096x8xf32> to vector<4096x1xf32>
    %jit3A_124 = arith.constant 0x7F800000 : f32
    %broadcast_in_dim3A_125 = vector.shape_cast %slice3A_123 : vector<4096x1xf32> to vector<4096x1xf32>
    %broadcast_in_dim3A_126 = vector.broadcast %broadcast_in_dim3A_125 : vector<4096x1xf32> to vector<4096x256xf32>
    %broadcast_in_dim3A_127 = vector.broadcast %jit3A_124 : f32 to vector<4096x256xf32>
    %select_n3A_128 = arith.select %eq3A_80, %broadcast_in_dim3A_126, %broadcast_in_dim3A_127 : vector<4096x256xi1>, vector<4096x256xf32>
    %reduce_min3A_129 = arith.constant dense<0x7F800000> : vector<256xf32>
    %reduce_min3A_130 = vector.multi_reduction <minimumf>, %select_n3A_128, %reduce_min3A_129 [0] : vector<4096x256xf32> to vector<256xf32>
    %broadcast_in_dim3A_131 = vector.shape_cast %reduce_min3A_130 : vector<256xf32> to vector<1x256xf32>
    %slice3A_132 = vector.extract_strided_slice %div3A_74 {offsets = [0, 6], sizes = [4096, 1], strides = [1, 1]} : vector<4096x8xf32> to vector<4096x1xf32>
    %jit3A_133 = arith.constant 0x7F800000 : f32
    %broadcast_in_dim3A_134 = vector.shape_cast %slice3A_132 : vector<4096x1xf32> to vector<4096x1xf32>
    %broadcast_in_dim3A_135 = vector.broadcast %broadcast_in_dim3A_134 : vector<4096x1xf32> to vector<4096x256xf32>
    %broadcast_in_dim3A_136 = vector.broadcast %jit3A_133 : f32 to vector<4096x256xf32>
    %select_n3A_137 = arith.select %eq3A_80, %broadcast_in_dim3A_135, %broadcast_in_dim3A_136 : vector<4096x256xi1>, vector<4096x256xf32>
    %reduce_min3A_138 = arith.constant dense<0x7F800000> : vector<256xf32>
    %reduce_min3A_139 = vector.multi_reduction <minimumf>, %select_n3A_137, %reduce_min3A_138 [0] : vector<4096x256xf32> to vector<256xf32>
    %broadcast_in_dim3A_140 = vector.shape_cast %reduce_min3A_139 : vector<256xf32> to vector<1x256xf32>
    %slice3A_141 = vector.extract_strided_slice %div3A_74 {offsets = [0, 7], sizes = [4096, 1], strides = [1, 1]} : vector<4096x8xf32> to vector<4096x1xf32>
    %jit3A_142 = arith.constant 0x7F800000 : f32
    %broadcast_in_dim3A_143 = vector.shape_cast %slice3A_141 : vector<4096x1xf32> to vector<4096x1xf32>
    %broadcast_in_dim3A_144 = vector.broadcast %broadcast_in_dim3A_143 : vector<4096x1xf32> to vector<4096x256xf32>
    %broadcast_in_dim3A_145 = vector.broadcast %jit3A_142 : f32 to vector<4096x256xf32>
    %select_n3A_146 = arith.select %eq3A_80, %broadcast_in_dim3A_144, %broadcast_in_dim3A_145 : vector<4096x256xi1>, vector<4096x256xf32>
    %reduce_min3A_147 = arith.constant dense<0x7F800000> : vector<256xf32>
    %reduce_min3A_148 = vector.multi_reduction <minimumf>, %select_n3A_146, %reduce_min3A_147 [0] : vector<4096x256xf32> to vector<256xf32>
    %broadcast_in_dim3A_149 = vector.shape_cast %reduce_min3A_148 : vector<256xf32> to vector<1x256xf32>
    %concatenate3A = tpu.concatenate %broadcast_in_dim3A_86, %broadcast_in_dim3A_95, %broadcast_in_dim3A_104, %broadcast_in_dim3A_113, %broadcast_in_dim3A_122, %broadcast_in_dim3A_131, %broadcast_in_dim3A_140, %broadcast_in_dim3A_149 in 0 : vector<1x256xf32>, vector<1x256xf32>, vector<1x256xf32>, vector<1x256xf32>, vector<1x256xf32>, vector<1x256xf32>, vector<1x256xf32>, vector<1x256xf32> -> vector<8x256xf32>
    %slice3A_150 = vector.extract_strided_slice %concatenate3A {offsets = [0, 0], sizes = [7, 256], strides = [1, 1]} : vector<8x256xf32> to vector<7x256xf32>
    %reduce_sum3A_151 = arith.constant dense<0.000000e+00> : vector<256xf32>
    %reduce_sum3A_152 = vector.multi_reduction <add>, %slice3A_150, %reduce_sum3A_151 [0] : vector<7x256xf32> to vector<256xf32>
    %broadcast_in_dim3A_153 = vector.shape_cast %reduce_sum3A_152 : vector<256xf32> to vector<1x256xf32>
    %div3A_154 = arith.constant 7.000000e+00 : f32
    %div3A_155 = vector.broadcast %div3A_154 : f32 to vector<1x256xf32>
    %div3A_156 = arith.divf %broadcast_in_dim3A_153, %div3A_155 : vector<1x256xf32>
    %slice3A_157 = vector.extract_strided_slice %concatenate3A {offsets = [7, 0], sizes = [1, 256], strides = [1, 1]} : vector<8x256xf32> to vector<1x256xf32>
    %add3A_158 = arith.addf %div3A_156, %slice3A_157 : vector<1x256xf32>
    %reduce_sum3A_159 = vector.shape_cast %add3A_158 : vector<1x256xf32> to vector<1x1x256xf32>
    %reduce_sum3A_160 = arith.constant dense<0.000000e+00> : vector<1xf32>
    %reduce_sum3A_161 = vector.multi_reduction <add>, %reduce_sum3A_159, %reduce_sum3A_160 [1, 2] : vector<1x1x256xf32> to vector<1xf32>
    %reduce_sum3A_162 = vector.shape_cast %reduce_sum3A_161 : vector<1xf32> to vector<1x1x1xf32>
    %reduce_sum3A_163 = vector.extract %reduce_sum3A_162[0, 0, 0] : f32 from vector<1x1x1xf32>
    %div3A_164 = arith.constant 2.560000e+02 : f32
    %div3A_165 = arith.divf %reduce_sum3A_163, %div3A_164 : f32
    %jit3A_166 = arith.constant 0x7F800000 : f32
    %broadcast_in_dim3A_167 = vector.shape_cast %slice3A_75 : vector<4096x1xf32> to vector<4096x1xf32>
    %broadcast_in_dim3A_168 = vector.broadcast %broadcast_in_dim3A_167 : vector<4096x1xf32> to vector<4096x256xf32>
    %broadcast_in_dim3A_169 = vector.broadcast %jit3A_166 : f32 to vector<4096x256xf32>
    %select_n3A_170 = arith.select %eq3A_80, %broadcast_in_dim3A_168, %broadcast_in_dim3A_169 : vector<4096x256xi1>, vector<4096x256xf32>
    %reduce_min3A_171 = arith.constant dense<0x7F800000> : vector<256xf32>
    %reduce_min3A_172 = vector.multi_reduction <minimumf>, %select_n3A_170, %reduce_min3A_171 [0] : vector<4096x256xf32> to vector<256xf32>
    %broadcast_in_dim3A_173 = vector.shape_cast %reduce_min3A_172 : vector<256xf32> to vector<1x256xf32>
    %get3A_174 = arith.constant 0 : index
    %get3A_175 = arith.constant 0 : index
    %get3A_176 = vector.load %arg5[%get3A_174, %get3A_175] : memref<1x256xf32, #tpu.memory_space<vmem>>, vector<1x256xf32>
    %div3A_177 = arith.divf %broadcast_in_dim3A_173, %get3A_176 : vector<1x256xf32>
    %sqrt3A = math.sqrt %div3A_177 : vector<1x256xf32>
    %reduce_sum3A_178 = vector.shape_cast %sqrt3A : vector<1x256xf32> to vector<1x1x256xf32>
    %reduce_sum3A_179 = arith.constant dense<0.000000e+00> : vector<1xf32>
    %reduce_sum3A_180 = vector.multi_reduction <add>, %reduce_sum3A_178, %reduce_sum3A_179 [1, 2] : vector<1x1x256xf32> to vector<1xf32>
    %reduce_sum3A_181 = vector.shape_cast %reduce_sum3A_180 : vector<1xf32> to vector<1x1x1xf32>
    %reduce_sum3A_182 = vector.extract %reduce_sum3A_181[0, 0, 0] : f32 from vector<1x1x1xf32>
    %div3A_183 = arith.constant 2.560000e+02 : f32
    %div3A_184 = arith.divf %reduce_sum3A_182, %div3A_183 : f32
    %lt3A = arith.constant 2.000000e+00 : f32
    %lt3A_185 = vector.broadcast %lt3A : f32 to vector<1x256xf32>
    %lt3A_186 = arith.cmpf olt, %sqrt3A, %lt3A_185 : vector<1x256xf32>
    %convert_element_type3A = arith.extui %lt3A_186 : vector<1x256xi1> to vector<1x256xi32>
    %convert_element_type3A_187 = arith.sitofp %convert_element_type3A : vector<1x256xi32> to vector<1x256xf32>
    %reduce_sum3A_188 = vector.shape_cast %convert_element_type3A_187 : vector<1x256xf32> to vector<1x1x256xf32>
    %reduce_sum3A_189 = arith.constant dense<0.000000e+00> : vector<1xf32>
    %reduce_sum3A_190 = vector.multi_reduction <add>, %reduce_sum3A_188, %reduce_sum3A_189 [1, 2] : vector<1x1x256xf32> to vector<1xf32>
    %reduce_sum3A_191 = vector.shape_cast %reduce_sum3A_190 : vector<1xf32> to vector<1x1x1xf32>
    %reduce_sum3A_192 = vector.extract %reduce_sum3A_191[0, 0, 0] : f32 from vector<1x1x1xf32>
    %div3A_193 = arith.constant 2.560000e+02 : f32
    %div3A_194 = arith.divf %reduce_sum3A_192, %div3A_193 : f32
    %add3A_195 = arith.addf %div3A_165, %div3A_19 : f32
    %mul3A_196 = arith.constant 5.000000e-01 : f32
    %mul3A_197 = arith.mulf %mul3A_196, %div3A_28 : f32
    %add3A_198 = arith.addf %add3A_195, %mul3A_197 : f32
    %mul3A_199 = arith.constant 5.000000e-01 : f32
    %mul3A_200 = arith.mulf %mul3A_199, %div3A_37 : f32
    %add3A_201 = arith.addf %add3A_198, %mul3A_200 : f32
    %add3A_202 = arith.addf %add3A_201, %div3A_63 : f32
    %iota3A_203 = tpu.iota {dimensions = array<i32: 1>} : vector<1x16xi32>
    %broadcast_in_dim3A_204 = arith.constant 0.000000e+00 : f32
    %broadcast_in_dim3A_205 = vector.broadcast %broadcast_in_dim3A_204 : f32 to vector<1x16xf32>
    %eq3A_206 = arith.constant 0 : i32
    %eq3A_207 = vector.broadcast %eq3A_206 : i32 to vector<1x16xi32>
    %eq3A_208 = arith.cmpi eq, %iota3A_203, %eq3A_207 : vector<1x16xi32>
    %jit3A_209 = arith.constant 0.000000e+00 : f32
    %broadcast_in_dim3A_210 = vector.broadcast %add3A_202 : f32 to vector<1x16xf32>
    %broadcast_in_dim3A_211 = vector.broadcast %jit3A_209 : f32 to vector<1x16xf32>
    %select_n3A_212 = arith.select %eq3A_208, %broadcast_in_dim3A_210, %broadcast_in_dim3A_211 : vector<1x16xi1>, vector<1x16xf32>
    %add3A_213 = arith.addf %broadcast_in_dim3A_205, %select_n3A_212 : vector<1x16xf32>
    %eq3A_214 = arith.constant 1 : i32
    %eq3A_215 = vector.broadcast %eq3A_214 : i32 to vector<1x16xi32>
    %eq3A_216 = arith.cmpi eq, %iota3A_203, %eq3A_215 : vector<1x16xi32>
    %jit3A_217 = arith.constant 0.000000e+00 : f32
    %broadcast_in_dim3A_218 = vector.broadcast %div3A_19 : f32 to vector<1x16xf32>
    %broadcast_in_dim3A_219 = vector.broadcast %jit3A_217 : f32 to vector<1x16xf32>
    %select_n3A_220 = arith.select %eq3A_216, %broadcast_in_dim3A_218, %broadcast_in_dim3A_219 : vector<1x16xi1>, vector<1x16xf32>
    %add3A_221 = arith.addf %add3A_213, %select_n3A_220 : vector<1x16xf32>
    %eq3A_222 = arith.constant 2 : i32
    %eq3A_223 = vector.broadcast %eq3A_222 : i32 to vector<1x16xi32>
    %eq3A_224 = arith.cmpi eq, %iota3A_203, %eq3A_223 : vector<1x16xi32>
    %jit3A_225 = arith.constant 0.000000e+00 : f32
    %broadcast_in_dim3A_226 = vector.broadcast %div3A_28 : f32 to vector<1x16xf32>
    %broadcast_in_dim3A_227 = vector.broadcast %jit3A_225 : f32 to vector<1x16xf32>
    %select_n3A_228 = arith.select %eq3A_224, %broadcast_in_dim3A_226, %broadcast_in_dim3A_227 : vector<1x16xi1>, vector<1x16xf32>
    %add3A_229 = arith.addf %add3A_221, %select_n3A_228 : vector<1x16xf32>
    %eq3A_230 = arith.constant 3 : i32
    %eq3A_231 = vector.broadcast %eq3A_230 : i32 to vector<1x16xi32>
    %eq3A_232 = arith.cmpi eq, %iota3A_203, %eq3A_231 : vector<1x16xi32>
    %jit3A_233 = arith.constant 0.000000e+00 : f32
    %broadcast_in_dim3A_234 = vector.broadcast %div3A_63 : f32 to vector<1x16xf32>
    %broadcast_in_dim3A_235 = vector.broadcast %jit3A_233 : f32 to vector<1x16xf32>
    %select_n3A_236 = arith.select %eq3A_232, %broadcast_in_dim3A_234, %broadcast_in_dim3A_235 : vector<1x16xi1>, vector<1x16xf32>
    %add3A_237 = arith.addf %add3A_229, %select_n3A_236 : vector<1x16xf32>
    %eq3A_238 = arith.constant 4 : i32
    %eq3A_239 = vector.broadcast %eq3A_238 : i32 to vector<1x16xi32>
    %eq3A_240 = arith.cmpi eq, %iota3A_203, %eq3A_239 : vector<1x16xi32>
    %jit3A_241 = arith.constant 0.000000e+00 : f32
    %broadcast_in_dim3A_242 = vector.broadcast %div3A_37 : f32 to vector<1x16xf32>
    %broadcast_in_dim3A_243 = vector.broadcast %jit3A_241 : f32 to vector<1x16xf32>
    %select_n3A_244 = arith.select %eq3A_240, %broadcast_in_dim3A_242, %broadcast_in_dim3A_243 : vector<1x16xi1>, vector<1x16xf32>
    %add3A_245 = arith.addf %add3A_237, %select_n3A_244 : vector<1x16xf32>
    %eq3A_246 = arith.constant 5 : i32
    %eq3A_247 = vector.broadcast %eq3A_246 : i32 to vector<1x16xi32>
    %eq3A_248 = arith.cmpi eq, %iota3A_203, %eq3A_247 : vector<1x16xi32>
    %jit3A_249 = arith.constant 0.000000e+00 : f32
    %broadcast_in_dim3A_250 = vector.broadcast %div3A_46 : f32 to vector<1x16xf32>
    %broadcast_in_dim3A_251 = vector.broadcast %jit3A_249 : f32 to vector<1x16xf32>
    %select_n3A_252 = arith.select %eq3A_248, %broadcast_in_dim3A_250, %broadcast_in_dim3A_251 : vector<1x16xi1>, vector<1x16xf32>
    %add3A_253 = arith.addf %add3A_245, %select_n3A_252 : vector<1x16xf32>
    %eq3A_254 = arith.constant 6 : i32
    %eq3A_255 = vector.broadcast %eq3A_254 : i32 to vector<1x16xi32>
    %eq3A_256 = arith.cmpi eq, %iota3A_203, %eq3A_255 : vector<1x16xi32>
    %jit3A_257 = arith.constant 0.000000e+00 : f32
    %broadcast_in_dim3A_258 = vector.broadcast %div3A_165 : f32 to vector<1x16xf32>
    %broadcast_in_dim3A_259 = vector.broadcast %jit3A_257 : f32 to vector<1x16xf32>
    %select_n3A_260 = arith.select %eq3A_256, %broadcast_in_dim3A_258, %broadcast_in_dim3A_259 : vector<1x16xi1>, vector<1x16xf32>
    %add3A_261 = arith.addf %add3A_253, %select_n3A_260 : vector<1x16xf32>
    %eq3A_262 = arith.constant 7 : i32
    %eq3A_263 = vector.broadcast %eq3A_262 : i32 to vector<1x16xi32>
    %eq3A_264 = arith.cmpi eq, %iota3A_203, %eq3A_263 : vector<1x16xi32>
    %jit3A_265 = arith.constant 0.000000e+00 : f32
    %broadcast_in_dim3A_266 = vector.broadcast %div3A_184 : f32 to vector<1x16xf32>
    %broadcast_in_dim3A_267 = vector.broadcast %jit3A_265 : f32 to vector<1x16xf32>
    %select_n3A_268 = arith.select %eq3A_264, %broadcast_in_dim3A_266, %broadcast_in_dim3A_267 : vector<1x16xi1>, vector<1x16xf32>
    %add3A_269 = arith.addf %add3A_261, %select_n3A_268 : vector<1x16xf32>
    %eq3A_270 = arith.constant 8 : i32
    %eq3A_271 = vector.broadcast %eq3A_270 : i32 to vector<1x16xi32>
    %eq3A_272 = arith.cmpi eq, %iota3A_203, %eq3A_271 : vector<1x16xi32>
    %jit3A_273 = arith.constant 0.000000e+00 : f32
    %broadcast_in_dim3A_274 = vector.broadcast %div3A_194 : f32 to vector<1x16xf32>
    %broadcast_in_dim3A_275 = vector.broadcast %jit3A_273 : f32 to vector<1x16xf32>
    %select_n3A_276 = arith.select %eq3A_272, %broadcast_in_dim3A_274, %broadcast_in_dim3A_275 : vector<1x16xi1>, vector<1x16xf32>
    %add3A_277 = arith.addf %add3A_269, %select_n3A_276 : vector<1x16xf32>
    %swap3A = arith.constant 0 : index
    %swap3A_278 = arith.constant 0 : index
    %swap3A_279 = vector.load %arg7[%swap3A, %swap3A_278] : memref<1x16xf32, #tpu.memory_space<vmem>>, vector<1x16xf32>
    tpu.vector_store %arg7[%swap3A, %swap3A_278], %add3A_277 {strides = array<i32>} : memref<1x16xf32, #tpu.memory_space<vmem>>, vector<1x16xf32>,
    return
  }
}

</mosaic_0001>

<sc_bundles>
// kernel: kernel.6.cloned.1.call-start
scs
__scs_entry_jumppad:
0x0: {  	(pc) =	sbr.rel $0x88, $3  }
0x1: {  	(tag) =	ssettag $0x0;
	lr =	simm.s32 $0x1  }
0x2: {  	[smem:$0x3F8C] =	sst lr;
	_ =	strace $0xD0000000  }
0x3: {  	_ = 	snop  }
0x4: {  	_ = 	snop  }
0x5: {  	_ = 	snop  }
0x6: {  	_ = 	snop  }
0x7: {  	_ = 	snop  }
__scs_overlays_trampoline_lowered:
0x8: {  	[smem:$0x3F9B] =	sst s0  }
0x9: {  	[smem:$0x3F9C] =	sst s1  }
0xa: {  	[smem:$0x3F9D] =	sst s2  }
0xb: {  	[smem:$0x3F9E] =	sst s3  }
0xc: {  	[smem:$0x3F9F] =	sst s4  }
0xd: {  	[smem:$0x3FA0] =	sst s5  }
0xe: {  	[smem:$0x3FA1] =	sst s6  }
0xf: {  	[smem:$0x3FA2] =	sst s7  }
0x10: {  	[smem:$0x3FA3] =	sst s8  }
0x11: {  	[smem:$0x3FA4] =	sst s9;
	s0 =	simm.s32 @!p0 $0x0  }
0x12: {  	s1 =	sld [smem:$0x3F8A];
	s0 =	simm.s32 @p0 $0x1  }
0x13: {  	[smem:$0x3FA5] =	sst s0;
	s0 =	simm.s32 @!p1 $0x0  }
0x14: {  	s2 =	sld [smem:$0x3F89];
	s0 =	simm.s32 @p1 $0x1  }
0x15: {  	[smem:$0x3FA6] =	sst s0;
	s0 =	simm.s32 @!p2 $0x0  }
0x16: {  	s3 =	sld [smem:$0x3FDB];
	s0 =	simm.s32 @p2 $0x1  }
0x17: {  	s4 =	simm.s32 $0x1BF5;
	[smem:$0x3FA8] =	sst s0  }
0x18: {  	s0 =	sld [smem:$0x3F8B];
	_ =	swait.ge [sflag:s4], $0x0  }
0x19: {  	s7 =	sld [smem:$0x3F8C]  }
0x1a: {  	s8 =	sadd.s32 $0xFFFFE003, lr  }
0x1b: {  	s9 =	sadd.s32 $0xFFFFFEF7, lr;
	s5 =	simm.s32 $0xFFFFFFFF;
	p2 =	slt.u32 s8, $0xFFFFF086  }
0x1c: {  	p1 =	slt.u32 s9, $0xF7A;
	s5 =	simm.s32 @!p2 $0x0  }
0x1d: {  	s5 =	simm.s32 @p1 $0x1;
	p0 =	seq.s32 s7, s2  }
0x1e: {  	s7 =	smul.u32 @!p0 $0xF7A, s2;
	p2 =	seq.s32 @!p0 s5, $0x0  }
0x1f: {  	s9 =	smul.u32 $0xF7A, s1;
	s8 =	simm.s32 @!p0 $0x1BF5;
	p2 =	por !p2, p0  }
0x20: {  	[sflag:s8] =	ssyncset.s32 @!p0 $0xFFFFF086;
	s6 =	sadd.s32 @!p0 s3, s7;
	s7 =	simm.s32 @!p0 $0x108  }
0x21: {  	s3 =	sadd.s32 s3, s9;
	s6 =	sadd.s32 @!p0 $0x88, s6;
	s7 =	simm.s32 @p2 $0x1082  }
0x22: {  	[simem:s7], [sflag:s8] =	dma.local @!p0 [hbm:s6], $0xF7A  }
0x23: {  	s9 =	sor.u32 $0xD0000000, s2;
	s6 =	simm.s32 $0x108;
	_ =	swait.ge @!p0 [sflag:s8], $0x0  }
0x24: {  	s3 =	sadd.s32 $0x88, s3;
	s6 =	simm.s32 @!p1 $0x1082;
	[sflag:s4] =	ssyncset.s32 $0xFFFFF086  }
0x25: {  	[simem:s6], [sflag:s4] =	dma.local [hbm:s3], $0xF7A  }
0x26: {  	[smem:$0x3F8C] =	sst s1;
	(tag) =	ssettag s2;
	_ =	strace s9  }
0x27: {  	s1 =	sld [smem:$0x3F9C]  }
0x28: {  	s2 =	sld [smem:$0x3F9D]  }
0x29: {  	s4 =	sld [smem:$0x3F9F]  }
0x2a: {  	p0 =	seq.s32 s5, $0x0;
	s5 =	sld [smem:$0x3FA0]  }
0x2b: {  	s6 =	sld [smem:$0x3FA1]  }
0x2c: {  	s7 =	sld [smem:$0x3FA2]  }
0x2d: {  	s3 =	simm.s32 $0x108;
	s8 =	sld [smem:$0x3FA3]  }
0x2e: {  	s3 =	simm.s32 @!p0 $0x1082;
	s9 =	sld [smem:$0x3FA4]  }
0x2f: {  	lr =	sadd.s32 s0, s3;
	s0 =	sld [smem:$0x3F9B]  }
0x30: {  	s3 =	sld [smem:$0x3F9E]  }
0x31: {  	[smem:$0x3FA7] =	sst s10  }
0x32: {  	s10 =	sld [smem:$0x3FA5];
	_ =	sdelay $0x3  }
0x33: {  	p0 =	seq.s32 s10, $0x1;
	s10 =	sld [smem:$0x3FA7];
	_ =	sdelay $0x3  }
0x34: {  	[smem:$0x3FA7] =	sst s10  }
0x35: {  	s10 =	sld [smem:$0x3FA6];
	_ =	sdelay $0x3  }
0x36: {  	p1 =	seq.s32 s10, $0x1;
	s10 =	sld [smem:$0x3FA7];
	_ =	sdelay $0x3  }
0x37: {  	[smem:$0x3FA7] =	sst s10  }
0x38: {  	s10 =	sld [smem:$0x3FA8]  }
0x39: {  	_ = 	snop;
	(pc) =	sbr.ind lr, $3  }
0x3a: {  	_ = 	snop  }
0x3b: {  	_ = 	snop  }
0x3c: {  	p2 =	seq.s32 s10, $0x1;
	s10 =	sld [smem:$0x3FA7]  }
0x3d: {  	_ =	shalt  }
0x3e: {  	_ =	shalt  }
0x3f: {  	_ =	shalt  }
0x40: {  	_ =	shalt  }
0x41: {  	_ =	shalt  }
0x42: {  	_ =	shalt  }
0x43: {  	_ =	shalt  }
0x44: {  	_ =	shalt  }
0x45: {  	_ =	shalt  }
0x46: {  	_ =	shalt  }
0x47: {  	_ =	shalt  }
0x48: {  	_ =	shalt  }
0x49: {  	_ =	shalt  }
0x4a: {  	_ =	shalt  }
0x4b: {  	_ =	shalt  }
0x4c: {  	_ =	shalt  }
0x4d: {  	_ =	shalt  }
0x4e: {  	_ =	shalt  }
0x4f: {  	_ =	shalt  }
0x50: {  	_ =	shalt  }
0x51: {  	_ =	shalt  }
0x52: {  	_ =	shalt  }
0x53: {  	_ =	shalt  }
0x54: {  	_ =	shalt  }
0x55: {  	_ =	shalt  }
0x56: {  	_ =	shalt  }
0x57: {  	_ =	shalt  }
0x58: {  	_ =	shalt  }
0x59: {  	_ =	shalt  }
0x5a: {  	_ =	shalt  }
0x5b: {  	_ =	shalt  }
0x5c: {  	_ =	shalt  }
0x5d: {  	_ =	shalt  }
0x5e: {  	_ =	shalt  }
0x5f: {  	_ =	shalt  }
0x60: {  	_ =	shalt  }
0x61: {  	_ =	shalt  }
0x62: {  	_ =	shalt  }
0x63: {  	_ =	shalt  }
0x64: {  	_ =	shalt  }
0x65: {  	_ =	shalt  }
0x66: {  	_ =	shalt  }
0x67: {  	_ =	shalt  }
0x68: {  	_ =	shalt  }
0x69: {  	_ =	shalt  }
0x6a: {  	_ =	shalt  }
0x6b: {  	_ =	shalt  }
0x6c: {  	_ =	shalt  }
0x6d: {  	_ =	shalt  }
0x6e: {  	_ =	shalt  }
0x6f: {  	_ =	shalt  }
0x70: {  	_ =	shalt  }
0x71: {  	_ =	shalt  }
0x72: {  	_ =	shalt  }
0x73: {  	_ =	shalt  }
0x74: {  	_ =	shalt  }
0x75: {  	_ =	shalt  }
0x76: {  	_ =	shalt  }
0x77: {  	_ =	shalt  }
0x78: {  	_ =	shalt  }
0x79: {  	_ =	shalt  }
0x7a: {  	_ =	shalt  }
0x7b: {  	_ =	shalt  }
0x7c: {  	_ =	shalt  }
0x7d: {  	_ =	shalt  }
0x7e: {  	_ =	shalt  }
0x7f: {  	_ =	shalt  }
0x80: {  	_ =	shalt  }
0x81: {  	_ =	shalt  }
0x82: {  	_ =	shalt  }
0x83: {  	_ =	shalt  }
0x84: {  	_ =	shalt  }
0x85: {  	_ =	shalt  }
0x86: {  	_ =	shalt  }
0x87: {  	_ =	shalt  }
.Lfunc_end0:
.L_simem_size_0:
called_computation_lowered:
.L_overlay_start_0:
0x88: {  	s2 =	sld [smem:$0x3FD9]  }
0x89: {  	s3 =	sld [smem:$0x3FFE];
	_ =	sdelay $0x1  }
0x8a: {  	s1 =	srdreg.scid  }
0x8b: {  	s0 =	sand.u32 $0x1, s1  }
0x8c: {  	s16 =	sshll.u32 s0, $0xA;
	s2 =	sadd.s32 s3, s2  }
0x8d: {  	s2 =	sadd.s32 s2, s16  }
0x8e: {  	[smem:$0x3FB3] =	sst s2  }
0x8f: {  	_ = 	snop  }
0x90: {  	(tm) =	ssettm $0x1  }
0x91: {  	s17 =	sld [smem:$0x3FFB];
	_ =	sdelay $0x3  }
0x92: {  	_ =	strace s17  }
0x93: {  	s2 =	sld [smem:$0x3FFC];
	_ =	sdelay $0x3  }
0x94: {  	_ =	strace s2  }
0x95: {  	s2 =	sld [smem:$0x3FFD];
	_ =	sdelay $0x3  }
0x96: {  	_ =	strace s2  }
0x97: {  	_ =	strace $0x8FFFFFFF  }
0x98: {  	s18 =	sld [smem:$0x3FDB];
	_ =	sdelay $0x1  }
0x99: {  	s19 =	simm.s32 $_scs_section_size  }
0x9a: {  	s4 =	simm.s32 $_size__tile_overlayer_lowered;
	s5 =	simm.s32 $_tile_overlayer_lowered  }
0x9b: {  	s22 =	simm.s32 $0x1BFF;
	s21 =	sshll.u32 s5, $0x1;
	s2 =	sadd.s32 s19, s18  }
0x9c: {  	s6 =	simm.s32 $0x0;
	s20 =	sshll.u32 s4, $0x1;
	s4 =	sadd.s32 s21, s2  }
0x9d: {  	[timem:s6], [sflag:s22] =	dma.local [hbm:s4], s20  }
0x9e: {  	_ =	swait.ge [sflag:s22], s20  }
0x9f: {  	s3 =	ssub.s32 $0x0, s20;
	[sflag:s22] =	ssyncset.done $0x0  }
0xa0: {  	[sflag:s22] =	ssyncadd.s32 s3;
	_ =	sdelay $0x1  }
0xa1: {  	s23 =	simm.s32 $0x1B8B  }
0xa2: {  	_ =	swait.ge [sflag:s23], $0x1  }
0xa3: {  	[sflag:s23] =	ssyncset.done $0x0  }
0xa4: {  	s25 =	simm.s32 $0x1B8E;
	s24 =	sld [smem:$0x3FFE];
	[sflag:s23] =	ssyncadd.s32 $0xFFFFFFFF  }
0xa5: {  	s26 =	simm.s32 $execute0_lowered;
	[smem:$0x3FD2] =	sst s25  }
0xa6: {  	s4 =	sshll.u32 s26, $0x1;
	_ =	strace $0x80000046;
	[dreg:$0x1] =	wrdreg $0xFFFFFFFF  }
0xa7: {  	s28 =	simm.s32 $_size_execute0_lowered;
	s2 =	sadd.s32 s2, s4;
	[dreg:$0x0] =	wrdreg $0x0  }
0xa8: {  	s4 =	sshll.u32 s28, $0x1;
	[dreg:$0x2] =	wrdreg s2  }
0xa9: {  	[dreg:$0x3] =	wrdreg s4  }
0xaa: {  	[dreg:$0x4] =	wrdreg $0xC0  }
0xab: {  	_ =	task [dreg:s6], $0x5FFFF  }
0xac: {  	[dreg:$0x1] =	wrdreg $0xFFFFFFFF  }
0xad: {  	[dreg:$0x0] =	wrdreg $0x60  }
0xae: {  	[dreg:$0x2] =	wrdreg s24  }
0xaf: {  	[dreg:$0x3] =	wrdreg $0x9  }
0xb0: {  	_ =	task.clear_ibuf [dreg:s6], $0x4FFFF;
	_ =	strace $0x90000046  }
0xb1: {  	s29 =	simm.s32 $0x9;
	_ =	strace $0x80000048  }
0xb2: {  	_ =	swait.ge [sflag:s29], $0x1  }
0xb3: {  	[sflag:s29] =	ssyncadd.s32 $0xFFFFFFFF  }
0xb4: {  	_ =	strace $0x90000048  }
0xb5: {  	_ =	sfence  }
0xb6: {  	s30 =	sld [smem:$0x0];
	_ =	sdelay $0x2  }
0xb7: {  	s31 =	sshll.u32 s1, $0xD;
	s1 =	sshrl.u32 s1, $0x2  }
0xb8: {  	s3 =	sand.u32 $0x4000, s31;
	s1 =	sadd.s32 s1, s30  }
0xb9: {  	s0 =	sor.u32 s3, s0;
	s1 =	sshll.u32 s1, $0x11  }
0xba: {  	s0 =	sor.u32 s1, s0  }
0xbb: {  	s0 =	sadd.s32 $0x8F2B, s0  }
0xbc: {  	[sflag:s0] =	ssyncadd.remote.s32 $0x1  }
0xbd: {  	_ =	sfence.sel $0xFFFF  }
0xbe: {  	[dreg:$0x0] =	wrdreg $0xFFFFFFFF;
	(pc) =	sbr.abs _section_cstart, $3  }
0xbf: {  	[dreg:$0x1] =	wrdreg $0xFFFFFFFF  }
0xc0: {  	_ =	task.clear_ibuf [dreg:s6], $0x2FFFF;
	_ =	strace $0x9FFFFFFF  }
0xc1: {  	(tm) =	ssettm $0x7FFFFFFF  }
tec
execute0_lowered:
.L_overlay_start_1:
0x0: {  	(tag) =	ssettag $0x1  }
0x1: {  	s7 =	rddreg [dreg:$0x0]  }
0x2: {  	s0 =	rddreg [dreg:$0x1];
	s1 =	simm.s32 $0x0  }
0x3: {  	s2 =	srdreg.scid;
	s12 =	simm.s32 $0x200;
	s13 =	simm.s32 $0x400  }
0x4: {  	s14 =	simm.s32 $0x300;
	s15 =	simm.s32 $0x8400;
	s16 =	simm.s32 $0x1  }
0x5: {  	s17 =	simm.s32 $0x2;
	s18 =	simm.s32 $0x10400;
	s19 =	simm.s32 $0x0  }
0x6: {  	[smem:$0x7FF] =	sst s1;
	s3 =	sadd.s32 $0xC7C00, s7;
	s4 =	sadd.s32 $0xF8A00, s7  }
0x7: {  	s8 =	sand.u32 $0x1, s2;
	s5 =	sadd.s32 $0x4600, s7;
	s2 =	stileid.u32  }
0x8: {  	s6 =	sadd.s32 $0x10E00, s7;
	s7 =	sadd.s32 $0x129800, s7;
	s9 =	ssub.s32 $0x2, s8  }
0x9: {  	_ =	strace $0x80000047;
	s11 =	sshll.u32 s2, $0x1;
	s10 =	sshrl.u32 s9, $0x1  }
0xa: {  	s8 =	sor.u32 s8, s11;
	s11 =	simm.s32 $0x100;
	s9 =	ssub.s32 s9, s10  }
0xb: {  	s8 =	smul.u32 $0x3200, s8;
	s10 =	simm.s32 $0x3;
	s9 =	smax.u32 s9, $0x1  }
.LBB2_1:
0xc: {  	s20 =	simm.s32 $0x0  }
.LBB2_2:
0xd: {  	s21 =	sshll.u32 s20, $0x8  }
0xe: {  	s21 =	sadd.s32 s8, s21  }
0xf: {  	s22 =	sshrl.u32 s21, $0x3  }
0x10: {  	s24 =	simm.s32 $0x0;
	s23 =	sadd.s32 s5, s22  }
0x11: {  	[tilespmem:s24], [sflag:$0x3] =	stream.linear.gather [hbm4b:s23+s24], $0x100, $0x38;
	[tilespmem:$0x12400] =	vst v63  }
0x12: {  	_ =	swait.ge [sflag:s10], $0x100  }
0x13: {  	[sflag:s10] =	ssyncset.done $0x0  }
0x14: {  	s22 =	sadd.s32 s6, s22;
	[sflag:s10] =	ssyncadd.s32 $0xFFFFFF00  }
0x15: {  	[tilespmem:s11], [sflag:$0x3] =	stream.linear.gather [hbm4b:s22+s24], $0x100, $0x38;
	[tilespmem:$0x12400] =	vst v63  }
0x16: {  	_ =	swait.ge [sflag:s10], $0x100  }
0x17: {  	[sflag:s10] =	ssyncset.done $0x0  }
0x18: {  	s22 =	simm.s32 $0x0;
	[sflag:s10] =	ssyncadd.s32 $0xFFFFFF00  }
0x19: {  	v0 =	vld [tilespmem:s22+$0x100]  }
0x1a: {  	s23 =	simm.s32 $0x40;
	v1 =	vld [tilespmem:s22+$0x0]  }
.LBB2_3:
0x1b: {  	p0 =	sne.s32 s23, $0x3C0  }
.Ltmp0:
0x1c: {  	_ = 	snop;
	(pc) =	sbr.rel @p0 .LBB2_3-.Ltmp0, $4  }
0x1d: {  	_ = 	snop  }
0x1e: {  	s24 =	sshra.s32 s23, $0x2;
	s23 =	sadd.s32 $0x40, s23;
	v2 =	vshrl.u32 v0, $0x2  }
0x1f: {  	v0 =	vld [tilespmem:s24+$0x100];
	v3 =	vshrl.u32 v1, $0x2;
	[tilespmem:s22+$0x300] =	vst v2  }
0x20: {  	v1 =	vld [tilespmem:s24+$0x0];
	[tilespmem:s22+$0x200] =	vst v3;
	s22 =	smov.u32 s24  }
0x21: {  	_ =	sdelay $0x2  }
0x22: {  	v0 =	vshrl.u32 v0, $0x2  }
0x23: {  	v1 =	vshrl.u32 v1, $0x2;
	[tilespmem:s22+$0x300] =	vst v0  }
0x24: {  	[tilespmem:s22+$0x200] =	vst v1;
	s22 =	simm.s32 $0x100  }
0x25: {  	[tilespmem:s13], [sflag:$0x1] =	stream.indirect.gather [hbm4b:s3+s22], $0x80, s12, s22, $0xb8;
	[tilespmem:$0x12400] =	vst v63  }
0x26: {  	_ = 	snop  }
0x27: {  	[tilespmem:s15], [sflag:$0x2] =	stream.indirect.gather [hbm4b:s4+s22], $0x80, s14, s22, $0xb8;
	[tilespmem:$0x12400] =	vst v63  }
0x28: {  	_ =	swait.ge [sflag:s16], $0x8000  }
0x29: {  	[sflag:s16] =	ssyncset.done $0x0  }
0x2a: {  	[sflag:s16] =	ssyncadd.s32 $0xFFFF8000  }
0x2b: {  	_ =	swait.ge [sflag:s17], $0x8000  }
0x2c: {  	s23 =	simm.s32 $0x0;
	s24 =	simm.s32 $0x1E0;
	[sflag:s17] =	ssyncset.done $0x0  }
0x2d: {  	s25 =	simm.s32 $0x10500;
	s26 =	simm.s32 $0x0;
	[sflag:s17] =	ssyncadd.s32 $0xFFFF8000  }
.LBB2_5:
0x2e: {  	v1 =	vld [tilespmem:s23+$0x0];
	_ =	sdelay $0x1  }
0x2f: {  	v0 =	vld [tilespmem:s22+$0x0];
	_ =	sdelay $0x2  }
0x30: {  	(v2sf) =	vpush v1, $0x0;
	_ =	sdelay $0x1  }
0x31: {  	(v2sf) =	vpush v0, $0x0;
	_ =	sdelay $0xa  }
0x32: {  	(v2sf) =	vpush v1, $0x1;
	_ =	sdelay $0x1  }
0x33: {  	s28 =	spop (v2sf);
	(v2sf) =	vpush v0, $0x1  }
0x34: {  	s28 =	sand.u32 $0x3, s28  }
0x35: {  	s29 =	spop (v2sf);
	s30 =	sshll.u32 s28, $0x5;
	s28 =	sshra.s32 s26, $0x2  }
0x36: {  	s29 =	sand.u32 $0x3, s29;
	s30 =	sadd.s32 s28, s30  }
0x37: {  	s29 =	sshll.u32 s29, $0x5;
	v2 =	vld [tilespmem:s30+$0x400]  }
0x38: {  	v3 =	vld [tilespmem:s30+$0x410];
	s29 =	sadd.s32 s28, s29  }
0x39: {  	v4 =	vld [tilespmem:s29+$0x8400]  }
0x3a: {  	v5 =	vld [tilespmem:s29+$0x8410];
	_ =	sdelay $0x3  }
0x3b: {  	(v2sf) =	vpush v1, $0x2;
	v2 =	vsub.f32 v2, v4  }
0x3c: {  	v3 =	vsub.f32 v3, v5  }
0x3d: {  	s30 =	spop (v2sf);
	(v2sf) =	vpush v0, $0x2;
	v2 =	vmul.f32 v2, v2  }
0x3e: {  	s29 =	sand.u32 $0x3, s30;
	v3 =	vmul.f32 v3, v3  }
0x3f: {  	s29 =	sshll.u32 s29, $0x5;
	[tilespmem:s25+$0xFFFFFF00] =	vst v2;
	s31 =	spop (v2sf)  }
0x40: {  	s29 =	sadd.s32 s28, s29;
	[tilespmem:s25+$0xFFFFFF10] =	vst v3;
	s30 =	sand.u32 $0x3, s31  }
0x41: {  	v2 =	vld [tilespmem:s29+$0x480];
	s30 =	sshll.u32 s30, $0x5  }
0x42: {  	v3 =	vld [tilespmem:s29+$0x490];
	s30 =	sadd.s32 s28, s30  }
0x43: {  	v32 =	vld [tilespmem:s30+$0x8480]  }
0x44: {  	v33 =	vld [tilespmem:s30+$0x8490];
	_ =	sdelay $0x3  }
0x45: {  	(v2sf) =	vpush v1, $0x3;
	v2 =	vsub.f32 v2, v32  }
0x46: {  	v3 =	vsub.f32 v3, v33  }
0x47: {  	s29 =	spop (v2sf);
	(v2sf) =	vpush v0, $0x3;
	v2 =	vmul.f32 v2, v2  }
0x48: {  	s31 =	sadd.s32 $0xFFFFFE40, s24;
	s29 =	sand.u32 $0x3, s29;
	v3 =	vmul.f32 v3, v3  }
0x49: {  	s29 =	sshll.u32 s29, $0x5;
	s30 =	sor.u32 $0x30, s31;
	s31 =	spop (v2sf);
	[tilespmem:s25+$0xFFFFFF20] =	vst v2  }
0x4a: {  	s29 =	sadd.s32 s28, s29;
	s31 =	sand.u32 $0x3, s31;
	[tilespmem:s30+$0x10400] =	vst v3  }
0x4b: {  	s30 =	sshll.u32 s31, $0x5;
	v2 =	vld [tilespmem:s29+$0x500]  }
0x4c: {  	v3 =	vld [tilespmem:s29+$0x510];
	s30 =	sadd.s32 s28, s30  }
0x4d: {  	v34 =	vld [tilespmem:s30+$0x8500]  }
0x4e: {  	v35 =	vld [tilespmem:s30+$0x8510];
	_ =	sdelay $0x3  }
0x4f: {  	(v2sf) =	vpush v1, $0x4;
	v2 =	vsub.f32 v2, v34  }
0x50: {  	v3 =	vsub.f32 v3, v35  }
0x51: {  	s29 =	spop (v2sf);
	(v2sf) =	vpush v0, $0x4;
	v2 =	vmul.f32 v2, v2  }
0x52: {  	s31 =	sadd.s32 $0xFFFFFE60, s24;
	s29 =	sand.u32 $0x3, s29;
	v3 =	vmul.f32 v3, v3  }
0x53: {  	s30 =	sor.u32 $0x50, s31;
	s31 =	spop (v2sf);
	s29 =	sshll.u32 s29, $0x5;
	[tilespmem:s25+$0xFFFFFF40] =	vst v2  }
0x54: {  	s31 =	sand.u32 $0x3, s31;
	s29 =	sadd.s32 s28, s29;
	[tilespmem:s30+$0x10400] =	vst v3  }
0x55: {  	s30 =	sshll.u32 s31, $0x5;
	v2 =	vld [tilespmem:s29+$0x580]  }
0x56: {  	v3 =	vld [tilespmem:s29+$0x590];
	s30 =	sadd.s32 s28, s30  }
0x57: {  	v36 =	vld [tilespmem:s30+$0x8580]  }
0x58: {  	v37 =	vld [tilespmem:s30+$0x8590];
	_ =	sdelay $0x3  }
0x59: {  	(v2sf) =	vpush v1, $0x5;
	v2 =	vsub.f32 v2, v36  }
0x5a: {  	v3 =	vsub.f32 v3, v37  }
0x5b: {  	s29 =	spop (v2sf);
	(v2sf) =	vpush v0, $0x5;
	v2 =	vmul.f32 v2, v2  }
0x5c: {  	s31 =	sadd.s32 $0xFFFFFE80, s24;
	s29 =	sand.u32 $0x3, s29;
	v3 =	vmul.f32 v3, v3  }
0x5d: {  	s30 =	sor.u32 $0x70, s31;
	s29 =	sshll.u32 s29, $0x5;
	s31 =	spop (v2sf);
	[tilespmem:s25+$0xFFFFFF60] =	vst v2  }
0x5e: {  	s29 =	sadd.s32 s28, s29;
	s31 =	sand.u32 $0x3, s31;
	[tilespmem:s30+$0x10400] =	vst v3  }
0x5f: {  	s30 =	sshll.u32 s31, $0x5;
	v2 =	vld [tilespmem:s29+$0x600]  }
0x60: {  	v3 =	vld [tilespmem:s29+$0x610];
	s31 =	sadd.s32 s28, s30  }
0x61: {  	v38 =	vld [tilespmem:s31+$0x8600]  }
0x62: {  	v39 =	vld [tilespmem:s31+$0x8610];
	_ =	sdelay $0x3  }
0x63: {  	(v2sf) =	vpush v1, $0x6;
	v2 =	vsub.f32 v2, v38  }
0x64: {  	v3 =	vsub.f32 v3, v39  }
0x65: {  	s30 =	spop (v2sf);
	(v2sf) =	vpush v0, $0x6;
	v2 =	vmul.f32 v2, v2  }
0x66: {  	s29 =	sand.u32 $0x3, s30;
	v3 =	vmul.f32 v3, v3  }
0x67: {  	s29 =	sshll.u32 s29, $0x5;
	s31 =	spop (v2sf);
	[tilespmem:s25+$0xFFFFFF80] =	vst v2  }
0x68: {  	s29 =	sadd.s32 s28, s29;
	s30 =	sand.u32 $0x3, s31;
	[tilespmem:s25+$0xFFFFFF90] =	vst v3  }
0x69: {  	s30 =	sshll.u32 s30, $0x5;
	v2 =	vld [tilespmem:s29+$0x680]  }
0x6a: {  	s30 =	sadd.s32 s28, s30;
	v3 =	vld [tilespmem:s29+$0x690]  }
0x6b: {  	v40 =	vld [tilespmem:s30+$0x8680]  }
0x6c: {  	v41 =	vld [tilespmem:s30+$0x8690];
	_ =	sdelay $0x3  }
0x6d: {  	(v2sf) =	vpush v1, $0x7;
	v2 =	vsub.f32 v2, v40  }
0x6e: {  	v3 =	vsub.f32 v3, v41  }
0x6f: {  	s29 =	spop (v2sf);
	(v2sf) =	vpush v0, $0x7;
	v2 =	vmul.f32 v2, v2  }
0x70: {  	s31 =	sadd.s32 $0xFFFFFEC0, s24;
	s29 =	sand.u32 $0x3, s29;
	v3 =	vmul.f32 v3, v3  }
0x71: {  	s30 =	sor.u32 $0x30, s31;
	s29 =	sshll.u32 s29, $0x5;
	s31 =	spop (v2sf);
	[tilespmem:s25+$0xFFFFFFA0] =	vst v2  }
0x72: {  	s29 =	sadd.s32 s28, s29;
	s31 =	sand.u32 $0x3, s31;
	[tilespmem:s30+$0x10400] =	vst v3  }
0x73: {  	s30 =	sshll.u32 s31, $0x5;
	v2 =	vld [tilespmem:s29+$0x700]  }
0x74: {  	v3 =	vld [tilespmem:s29+$0x710];
	s30 =	sadd.s32 s28, s30  }
0x75: {  	v42 =	vld [tilespmem:s30+$0x8700]  }
0x76: {  	v43 =	vld [tilespmem:s30+$0x8710];
	_ =	sdelay $0x3  }
0x77: {  	(v2sf) =	vpush v1, $0x8;
	v2 =	vsub.f32 v2, v42  }
0x78: {  	v3 =	vsub.f32 v3, v43  }
0x79: {  	s29 =	spop (v2sf);
	(v2sf) =	vpush v0, $0x8;
	v2 =	vmul.f32 v2, v2  }
0x7a: {  	s31 =	sadd.s32 $0xFFFFFEE0, s24;
	s29 =	sand.u32 $0x3, s29;
	v3 =	vmul.f32 v3, v3  }
0x7b: {  	s30 =	sor.u32 $0x50, s31;
	s29 =	sshll.u32 s29, $0x5;
	s31 =	spop (v2sf);
	[tilespmem:s25+$0xFFFFFFC0] =	vst v2  }
0x7c: {  	s29 =	sadd.s32 s28, s29;
	s31 =	sand.u32 $0x3, s31;
	[tilespmem:s30+$0x10400] =	vst v3  }
0x7d: {  	s30 =	sshll.u32 s31, $0x5;
	v2 =	vld [tilespmem:s29+$0x780]  }
0x7e: {  	v3 =	vld [tilespmem:s29+$0x790];
	s30 =	sadd.s32 s28, s30  }
0x7f: {  	v44 =	vld [tilespmem:s30+$0x8780]  }
0x80: {  	v45 =	vld [tilespmem:s30+$0x8790];
	_ =	sdelay $0x3  }
0x81: {  	(v2sf) =	vpush v1, $0x9;
	v2 =	vsub.f32 v2, v44  }
0x82: {  	v3 =	vsub.f32 v3, v45  }
0x83: {  	s29 =	spop (v2sf);
	(v2sf) =	vpush v0, $0x9;
	v2 =	vmul.f32 v2, v2  }
0x84: {  	s31 =	sadd.s32 $0xFFFFFF00, s24;
	s29 =	sand.u32 $0x3, s29;
	v3 =	vmul.f32 v3, v3  }
0x85: {  	s30 =	sor.u32 $0x70, s31;
	s29 =	sshll.u32 s29, $0x5;
	s31 =	spop (v2sf);
	[tilespmem:s25+$0xFFFFFFE0] =	vst v2  }
0x86: {  	s29 =	sadd.s32 s28, s29;
	s31 =	sand.u32 $0x3, s31;
	[tilespmem:s30+$0x10400] =	vst v3  }
0x87: {  	s30 =	sshll.u32 s31, $0x5;
	v2 =	vld [tilespmem:s29+$0x800]  }
0x88: {  	v3 =	vld [tilespmem:s29+$0x810];
	s31 =	sadd.s32 s28, s30  }
0x89: {  	v46 =	vld [tilespmem:s31+$0x8800]  }
0x8a: {  	v47 =	vld [tilespmem:s31+$0x8810];
	_ =	sdelay $0x3  }
0x8b: {  	(v2sf) =	vpush v1, $0xA;
	v2 =	vsub.f32 v2, v46  }
0x8c: {  	v3 =	vsub.f32 v3, v47  }
0x8d: {  	s30 =	spop (v2sf);
	(v2sf) =	vpush v0, $0xA;
	v2 =	vmul.f32 v2, v2  }
0x8e: {  	s29 =	sand.u32 $0x3, s30;
	v3 =	vmul.f32 v3, v3  }
0x8f: {  	s29 =	sshll.u32 s29, $0x5;
	s31 =	spop (v2sf);
	[tilespmem:s25+$0x0] =	vst v2  }
0x90: {  	s29 =	sadd.s32 s28, s29;
	s30 =	sand.u32 $0x3, s31;
	[tilespmem:s25+$0x10] =	vst v3  }
0x91: {  	s30 =	sshll.u32 s30, $0x5;
	v2 =	vld [tilespmem:s29+$0x880]  }
0x92: {  	s30 =	sadd.s32 s28, s30;
	v3 =	vld [tilespmem:s29+$0x890]  }
0x93: {  	v48 =	vld [tilespmem:s30+$0x8880]  }
0x94: {  	v49 =	vld [tilespmem:s30+$0x8890];
	_ =	sdelay $0x3  }
0x95: {  	(v2sf) =	vpush v1, $0xB;
	v2 =	vsub.f32 v2, v48  }
0x96: {  	v3 =	vsub.f32 v3, v49  }
0x97: {  	s29 =	spop (v2sf);
	(v2sf) =	vpush v0, $0xB;
	v2 =	vmul.f32 v2, v2  }
0x98: {  	s31 =	sadd.s32 $0xFFFFFF40, s24;
	s29 =	sand.u32 $0x3, s29;
	v3 =	vmul.f32 v3, v3  }
0x99: {  	s30 =	sor.u32 $0x30, s31;
	s29 =	sshll.u32 s29, $0x5;
	s31 =	spop (v2sf);
	[tilespmem:s25+$0x20] =	vst v2  }
0x9a: {  	s29 =	sadd.s32 s28, s29;
	s31 =	sand.u32 $0x3, s31;
	[tilespmem:s30+$0x10400] =	vst v3  }
0x9b: {  	s30 =	sshll.u32 s31, $0x5;
	v2 =	vld [tilespmem:s29+$0x900]  }
0x9c: {  	v3 =	vld [tilespmem:s29+$0x910];
	s30 =	sadd.s32 s28, s30  }
0x9d: {  	v50 =	vld [tilespmem:s30+$0x8900]  }
0x9e: {  	v51 =	vld [tilespmem:s30+$0x8910];
	_ =	sdelay $0x3  }
0x9f: {  	(v2sf) =	vpush v1, $0xC;
	v2 =	vsub.f32 v2, v50  }
0xa0: {  	v3 =	vsub.f32 v3, v51  }
0xa1: {  	s29 =	spop (v2sf);
	(v2sf) =	vpush v0, $0xC;
	v2 =	vmul.f32 v2, v2  }
0xa2: {  	s31 =	sadd.s32 $0xFFFFFF60, s24;
	s29 =	sand.u32 $0x3, s29;
	v3 =	vmul.f32 v3, v3  }
0xa3: {  	s30 =	sor.u32 $0x50, s31;
	s29 =	sshll.u32 s29, $0x5;
	s31 =	spop (v2sf);
	[tilespmem:s25+$0x40] =	vst v2  }
0xa4: {  	s29 =	sadd.s32 s28, s29;
	s31 =	sand.u32 $0x3, s31;
	[tilespmem:s30+$0x10400] =	vst v3  }
0xa5: {  	s30 =	sshll.u32 s31, $0x5;
	v2 =	vld [tilespmem:s29+$0x980]  }
0xa6: {  	v3 =	vld [tilespmem:s29+$0x990];
	s30 =	sadd.s32 s28, s30  }
0xa7: {  	v52 =	vld [tilespmem:s30+$0x8980]  }
0xa8: {  	v53 =	vld [tilespmem:s30+$0x8990];
	_ =	sdelay $0x3  }
0xa9: {  	(v2sf) =	vpush v1, $0xD;
	v2 =	vsub.f32 v2, v52  }
0xaa: {  	v3 =	vsub.f32 v3, v53  }
0xab: {  	s29 =	spop (v2sf);
	(v2sf) =	vpush v0, $0xD;
	v2 =	vmul.f32 v2, v2  }
0xac: {  	s31 =	sadd.s32 $0xFFFFFF80, s24;
	s29 =	sand.u32 $0x3, s29;
	v3 =	vmul.f32 v3, v3  }
0xad: {  	s30 =	sor.u32 $0x70, s31;
	s29 =	sshll.u32 s29, $0x5;
	s31 =	spop (v2sf);
	[tilespmem:s25+$0x60] =	vst v2  }
0xae: {  	s29 =	sadd.s32 s28, s29;
	s31 =	sand.u32 $0x3, s31;
	[tilespmem:s30+$0x10400] =	vst v3  }
0xaf: {  	s30 =	sshll.u32 s31, $0x5;
	v2 =	vld [tilespmem:s29+$0xA00]  }
0xb0: {  	v3 =	vld [tilespmem:s29+$0xA10];
	s31 =	sadd.s32 s28, s30  }
0xb1: {  	v54 =	vld [tilespmem:s31+$0x8A00]  }
0xb2: {  	v55 =	vld [tilespmem:s31+$0x8A10];
	_ =	sdelay $0x3  }
0xb3: {  	(v2sf) =	vpush v1, $0xE;
	v2 =	vsub.f32 v2, v54  }
0xb4: {  	v3 =	vsub.f32 v3, v55  }
0xb5: {  	s30 =	spop (v2sf);
	(v2sf) =	vpush v0, $0xE;
	v2 =	vmul.f32 v2, v2  }
0xb6: {  	s29 =	sand.u32 $0x3, s30;
	v3 =	vmul.f32 v3, v3  }
0xb7: {  	s29 =	sshll.u32 s29, $0x5;
	s31 =	spop (v2sf);
	[tilespmem:s25+$0x80] =	vst v2  }
0xb8: {  	s29 =	sadd.s32 s28, s29;
	s30 =	sand.u32 $0x3, s31;
	[tilespmem:s25+$0x90] =	vst v3  }
0xb9: {  	s30 =	sshll.u32 s30, $0x5;
	v2 =	vld [tilespmem:s29+$0xA80]  }
0xba: {  	s30 =	sadd.s32 s28, s30;
	v3 =	vld [tilespmem:s29+$0xA90]  }
0xbb: {  	v56 =	vld [tilespmem:s30+$0x8A80]  }
0xbc: {  	v57 =	vld [tilespmem:s30+$0x8A90];
	_ =	sdelay $0x3  }
0xbd: {  	(v2sf) =	vpush v1, $0xF;
	v2 =	vsub.f32 v2, v56  }
0xbe: {  	v58 =	vsub.f32 v3, v57  }
0xbf: {  	s31 =	spop (v2sf);
	(v2sf) =	vpush v0, $0xF;
	v2 =	vmul.f32 v2, v2  }
0xc0: {  	s30 =	sadd.s32 $0xFFFFFFC0, s24;
	s29 =	sand.u32 $0x3, s31;
	v59 =	vmul.f32 v58, v58  }
0xc1: {  	s30 =	sor.u32 $0x30, s30;
	s29 =	sshll.u32 s29, $0x5;
	s31 =	spop (v2sf);
	[tilespmem:s25+$0xA0] =	vst v2  }
0xc2: {  	s29 =	sadd.s32 s28, s29;
	s31 =	sand.u32 $0x3, s31;
	[tilespmem:s30+$0x10400] =	vst v59  }
0xc3: {  	s30 =	sshll.u32 s31, $0x5;
	v0 =	vld [tilespmem:s29+$0xB00]  }
0xc4: {  	v60 =	vld [tilespmem:s29+$0xB10];
	s30 =	sadd.s32 s28, s30  }
0xc5: {  	v2 =	vld [tilespmem:s30+$0x8B00]  }
0xc6: {  	v61 =	vld [tilespmem:s30+$0x8B10];
	_ =	sdelay $0x3  }
0xc7: {  	v0 =	vsub.f32 v0, v2  }
0xc8: {  	v1 =	vsub.f32 v60, v61  }
0xc9: {  	s29 =	spop (v2sf);
	v0 =	vmul.f32 v0, v0  }
0xca: {  	s31 =	sadd.s32 $0xFFFFFFE0, s24;
	s29 =	sand.u32 $0x3, s29;
	v1 =	vmul.f32 v1, v1  }
0xcb: {  	s30 =	sor.u32 $0x50, s31;
	s31 =	spop (v2sf);
	s29 =	sshll.u32 s29, $0x5;
	[tilespmem:s25+$0xC0] =	vst v0  }
0xcc: {  	s31 =	sand.u32 $0x3, s31;
	s29 =	sadd.s32 s28, s29;
	[tilespmem:s30+$0x10400] =	vst v1  }
0xcd: {  	s30 =	sshll.u32 s31, $0x5;
	v0 =	vld [tilespmem:s29+$0xB80]  }
0xce: {  	v1 =	vld [tilespmem:s29+$0xB90];
	s28 =	sadd.s32 s28, s30  }
0xcf: {  	v62 =	vld [tilespmem:s28+$0x8B80]  }
0xd0: {  	v63 =	vld [tilespmem:s28+$0x8B90];
	_ =	sdelay $0x3  }
0xd1: {  	p0 =	sne.s32 s26, $0x1E000;
	v0 =	vsub.f32 v0, v62  }
.Ltmp1:
0xd2: {  	v1 =	vsub.f32 v1, v63;
	(pc) =	sbr.rel @p0 .LBB2_5-.Ltmp1, $4  }
0xd3: {  	v0 =	vmul.f32 v0, v0  }
0xd4: {  	v1 =	vmul.f32 v1, v1  }
0xd5: {  	s22 =	sadd.s32 $0x10, s22;
	s23 =	sadd.s32 $0x10, s23;
	s31 =	sor.u32 $0x70, s24;
	[tilespmem:s25+$0xE0] =	vst v0  }
0xd6: {  	s26 =	sadd.s32 $0x2000, s26;
	s24 =	sadd.s32 $0x200, s24;
	s25 =	sadd.s32 $0x200, s25;
	[tilespmem:s31+$0x10400] =	vst v1  }
0xd7: {  	s20 =	sadd.s32 $0x1, s20  }
0xd8: {  	s21 =	sshll.u32 s21, $0x2;
	p0 =	sne.s32 s20, $0x32  }
.Ltmp2:
0xd9: {  	s21 =	sadd.s32 s7, s21;
	(pc) =	sbr.rel @p0 .LBB2_2-.Ltmp2, $4  }
0xda: {  	[hbm4b:s21+s1] =	stream.linear.scatter [tilespmem:s18], [sflag:$0x3], $0x2000, $0x38;
	[tilespmem:$0x12400] =	vst v63  }
0xdb: {  	_ =	swait.ge [sflag:s10], $0x2000  }
0xdc: {  	[sflag:s10] =	ssyncset.done $0x0  }
0xdd: {  	[sflag:s10] =	ssyncadd.s32 $0xFFFFE000  }
0xde: {  	s19 =	sadd.s32 $0x1, s19  }
0xdf: {  	p0 =	sne.s32 s19, s9  }
.Ltmp3:
0xe0: {  	_ = 	snop;
	(pc) =	sbr.rel @p0 .LBB2_1-.Ltmp3, $1  }
0xe1: {  	_ =	sdelay $0x3  }
0xe2: {  	_ =	sfence.sel $0x180000  }
0xe3: {  	[bflag:$0x0] =	sbarrier.arrive $0xFFFF  }
0xe4: {  	p0 =	sne.s32 s2, $0x0;
	_ =	strace $0x90000047  }
0xe5: {  	s0 =	sadd.s32 @!p0 $0x100000, s0;
	[bflag:$0x2] =	sbarrier.arrive $0xFFFF  }
0xe6: {  	[sflag:s0] =	ssyncadd.tile.s32 @!p0 $0x1;
	_ =	shalt  }
.Lfunc_end2:
_tile_overlayer_lowered:
.L_overlay_start_2:
0xe7: {  	(tag) =	ssettag $0x2  }
0xe8: {  	s0 =	rddreg [dreg:$0x0];
	s2 =	stileid.u32  }
0xe9: {  	s1 =	rddreg [dreg:$0x1];
	p0 =	sne.s32 s2, $0x0  }
0xea: {  	s3 =	rddreg [dreg:$0x2];
	[bflag:$0x3] =	sbarrier.arrive $0xFFFF;
	s2 =	simm.s32 @!p0 $0x1C03  }
0xeb: {  	[timem:s3], [sflag:s2] =	dma.local @!p0 [hbm:s0], s1  }
0xec: {  	s0 =	simm.s32 @!p0 $0x3  }
0xed: {  	_ =	swait.ge @!p0 [sflag:s0], s1  }
0xee: {  	s1 =	ssub.s32 @!p0 $0x0, s1;
	[sflag:s0] =	ssyncset.done @!p0 $0x0  }
0xef: {  	[sflag:s0] =	ssyncadd.s32 @!p0 s1  }
0xf0: {  	[bflag:$0x3] =	sbarrier.arrive $0xFFFF  }
0xf1: {  	_ =	shalt  }

</sc_bundles>
